<compile_context>
chip_gen: v7x
topology: tpu7x:2x2x1
jax: 0.10.2.dev20260603
libtpu: 0.0.44.dev20260713+nightly
codegen_flags: <defaults>
</compile_context>

<pallas_src>
import jax
import jax.numpy as jnp
from jax.experimental import pallas as pl
from jax.experimental.pallas import tpu as pltpu

_B, _N, _T = 64, 325, 12
_HID, _MH, _MEM, _IN, _OUT = 64, 32, 20, 2, 1
_NSUB = 208
_EPS2 = 1e-16


def _body(x_ref, h0_ref, h1_ref, h2_ref, h3_ref, memp_ref, iq_ref,
          hq0, hq1, hq2, hq3, k0, k1, k2, k3, v0, v1, v2, v3,
          ones4_ref, c0_ref, c1_ref, c2_ref, c3_ref, out_ref):
    f32 = jnp.float32

    def dot3(a, b):
        return jax.lax.dot_general(a, b, (((2,), (0,)), ((), ())),
                                   preferred_element_type=f32)

    memp = memp_ref[:]
    x = x_ref[0].reshape(_NSUB, _T, _IN)
    en = dot3(x, iq_ref[:])
    em = jnp.exp(en)
    mems = dot3(em, memp)
    na2 = dot3(mems * mems, ones4_ref[:])
    dps = None
    nbs = None
    for h_ref, hq, kk, vv, c_ref in (
            (h0_ref, hq0, k0, v0, c0_ref), (h1_ref, hq1, k1, v1, c1_ref),
            (h2_ref, hq2, k2, v2, c2_ref), (h3_ref, hq3, k3, v3, c3_ref)):
        h = h_ref[0].reshape(_NSUB, _T, _HID)
        q = dot3(h, hq[:])
        k = dot3(h, kk[:])
        v = dot3(h, vv[:])
        e = jax.lax.dot_general(q, k, (((2,), (2,)), ((0,), (0,))),
                                preferred_element_type=f32)
        pe = jnp.exp(e - 15.0)
        a = jax.lax.dot_general(pe, v, (((2,), (1,)), ((0,), (0,))),
                                preferred_element_type=f32)
        c = c_ref[:]
        dp = dot3(mems * a, c)
        nb = dot3(a * a, c)
        dps = dp if dps is None else dps + dp
        nbs = nb if nbs is None else nbs + nb
    score = dps * jax.lax.rsqrt(jnp.maximum(na2, _EPS2)) \
                * jax.lax.rsqrt(jnp.maximum(nbs, _EPS2))
    out_ref[0] = score.reshape(_NSUB, _T * 4)


def kernel(input, hidden_0, hidden_1, hidden_2, hidden_3, memory, input_query,
           hid_query_0, hid_query_1, hid_query_2, hid_query_3,
           key_0, key_1, key_2, key_3,
           value_0, value_1, value_2, value_3):
    memp = jnp.pad(memory, ((0, 32 - _MEM), (0, 0)))
    iq2 = input_query @ memp.T
    ones4 = jnp.ones((_MH, 4), jnp.float32)
    csel = [jnp.zeros((_MH, 4), jnp.float32).at[:, e].set(1.0)
            for e in range(4)]
    nblk = _B * _N // _NSUB
    xc = input.reshape(nblk, _NSUB, _T * _IN)
    hcs = [h.reshape(nblk, _NSUB, _T * _HID)
           for h in (hidden_0, hidden_1, hidden_2, hidden_3)]

    def _full(a):
        return pl.BlockSpec(a.shape, lambda i: (0,) * a.ndim)

    def _rows(c):
        return pl.BlockSpec((1, _NSUB, c), lambda i: (i, 0, 0))

    w_args = (memp, iq2,
              hid_query_0, hid_query_1, hid_query_2, hid_query_3,
              key_0, key_1, key_2, key_3,
              value_0, value_1, value_2, value_3,
              ones4, *csel)
    out = pl.pallas_call(
        _body,
        grid=(nblk,),
        in_specs=[_rows(_T * _IN)] + [_rows(_T * _HID)] * 4
                 + [_full(a) for a in w_args],
        out_specs=_rows(_T * 4),
        out_shape=jax.ShapeDtypeStruct((nblk, _NSUB, _T * 4), jnp.float32),
        compiler_params=pltpu.CompilerParams(
            dimension_semantics=("parallel",)),
    )(xc, *hcs, *w_args)
    return out.reshape(_B, _N, _T, _OUT, 4)

# --- scband reference (transcript-rebuilt; emitter-appended) ---
"""Pipeline reference for scband-memory-gate-12017318494276 (READ-ONLY COPY).

The authoritative reference and input builder live on the scoring server;
editing this copy changes nothing except your own understanding.
"""

import jax, jax.numpy as jnp
import numpy as np

B, N, T = 64, 325, 12
HID, MH, MEM, IN_DIM, OUT_DIM = 64, 32, 20, 2, 1

def _xavier(k, shape):
    a = float(np.sqrt(6.0 / (shape[0] + shape[1])))
    return jax.random.uniform(k, shape, jnp.float32, -a, a)

def setup_inputs(seed: int = 0) -> dict:
    key = jax.random.key(seed)
    ks = jax.random.split(key, 32)
    inp = {}
    inp['input'] = jax.random.normal(ks[0], (B, N, T, IN_DIM), jnp.float32)
    for i in range(4):
        inp[f'hidden_{i}'] = jax.random.normal(ks[1 + i], (B, N, T, HID), jnp.float32)
    inp['memory'] = _xavier(ks[5], (MEM, MH))
    inp['input_query'] = _xavier(ks[6], (IN_DIM, MH))
    for i in range(4):
        inp[f'hid_query_{i}'] = _xavier(ks[7 + i], (HID, MH))
        inp[f'key_{i}'] = _xavier(ks[11 + i], (HID, MH))
        inp[f'value_{i}'] = _xavier(ks[15 + i], (HID, MH))
    return inp

def _cosine(a, b, eps=1e-8):
    na = jnp.maximum(jnp.linalg.norm(a, axis=-1), eps)
    nb = jnp.maximum(jnp.linalg.norm(b, axis=-1), eps)
    return jnp.sum(a * b, axis=-1) / (na * nb)

def _attention(x, hq, kk, vv):
    query = jnp.matmul(x, hq)
    key = jnp.matmul(x, kk)
    value = jnp.matmul(x, vv)
    energy = jnp.matmul(query, jnp.swapaxes(key, -1, -2))
    score = jax.nn.softmax(energy, axis=-1)
    out = jnp.matmul(score, value)
    return out

def _query_mem(input, input_query, memory):
    query = jnp.matmul(input, input_query)
    energy = jnp.matmul(query, memory.T)
    score = jax.nn.softmax(energy, axis=-1)
    return jnp.matmul(score, memory)

def reference(input, hidden_0, hidden_1, hidden_2, hidden_3, memory, input_query,
              hid_query_0, hid_query_1, hid_query_2, hid_query_3,
              key_0, key_1, key_2, key_3,
              value_0, value_1, value_2, value_3):
    hiddens = [hidden_0, hidden_1, hidden_2, hidden_3]
    hqs = [hid_query_0, hid_query_1, hid_query_2, hid_query_3]
    kks = [key_0, key_1, key_2, key_3]
    vvs = [value_0, value_1, value_2, value_3]
    memories = _query_mem(input, input_query, memory)
    scores = []
    for i in range(4):
        hidden_att = _attention(hiddens[i], hqs[i], kks[i], vvs[i])
        scores.append(_cosine(memories, hidden_att))
    scores = jnp.stack(scores, axis=-1)  # (B, N, T, 4)
    out = jnp.broadcast_to(scores[..., None, :], (B, N, T, OUT_DIM, scores.shape[-1]))
    return out

if __name__ == "__main__":
    import jax
    _d = setup_inputs()
    print(jax.jit(kernel)(*tuple(_d.values())))

</pallas_src>

<mosaic_0001>
module attributes {stable_mosaic.version = 14 : i64} {
  func.func @_body(%arg0: i32, %arg1: memref<1x208x24xf32, #tpu.memory_space<vmem>>, %arg2: memref<1x208x768xf32, #tpu.memory_space<vmem>>, %arg3: memref<1x208x768xf32, #tpu.memory_space<vmem>>, %arg4: memref<1x208x768xf32, #tpu.memory_space<vmem>>, %arg5: memref<1x208x768xf32, #tpu.memory_space<vmem>>, %arg6: memref<32x32xf32, #tpu.memory_space<vmem>>, %arg7: memref<2x32xf32, #tpu.memory_space<vmem>>, %arg8: memref<64x32xf32, #tpu.memory_space<vmem>>, %arg9: memref<64x32xf32, #tpu.memory_space<vmem>>, %arg10: memref<64x32xf32, #tpu.memory_space<vmem>>, %arg11: memref<64x32xf32, #tpu.memory_space<vmem>>, %arg12: memref<64x32xf32, #tpu.memory_space<vmem>>, %arg13: memref<64x32xf32, #tpu.memory_space<vmem>>, %arg14: memref<64x32xf32, #tpu.memory_space<vmem>>, %arg15: memref<64x32xf32, #tpu.memory_space<vmem>>, %arg16: memref<64x32xf32, #tpu.memory_space<vmem>>, %arg17: memref<64x32xf32, #tpu.memory_space<vmem>>, %arg18: memref<64x32xf32, #tpu.memory_space<vmem>>, %arg19: memref<64x32xf32, #tpu.memory_space<vmem>>, %arg20: memref<32x4xf32, #tpu.memory_space<vmem>>, %arg21: memref<32x4xf32, #tpu.memory_space<vmem>>, %arg22: memref<32x4xf32, #tpu.memory_space<vmem>>, %arg23: memref<32x4xf32, #tpu.memory_space<vmem>>, %arg24: memref<32x4xf32, #tpu.memory_space<vmem>>, %arg25: memref<1x208x48xf32, #tpu.memory_space<vmem>>) attributes {dimension_semantics = [#tpu.dimension_semantics<parallel>], iteration_bounds = array<i64: 100>, scalar_prefetch = 0 : i64, scratch_operands = 0 : i64, tpu.core_type = #tpu.core_type<tc>, window_params = [{transform_indices = @transform_0, window_bounds = array<i64: 1, 208, 24>}, {transform_indices = @transform_1, window_bounds = array<i64: 1, 208, 768>}, {transform_indices = @transform_2, window_bounds = array<i64: 1, 208, 768>}, {transform_indices = @transform_3, window_bounds = array<i64: 1, 208, 768>}, {transform_indices = @transform_4, window_bounds = array<i64: 1, 208, 768>}, {pipeline_mode = #tpu.pipeline_mode<synchronous>, transform_indices = @transform_5, window_bounds = array<i64: 32, 32>}, {pipeline_mode = #tpu.pipeline_mode<synchronous>, transform_indices = @transform_6, window_bounds = array<i64: 2, 32>}, {pipeline_mode = #tpu.pipeline_mode<synchronous>, transform_indices = @transform_7, window_bounds = array<i64: 64, 32>}, {pipeline_mode = #tpu.pipeline_mode<synchronous>, transform_indices = @transform_8, window_bounds = array<i64: 64, 32>}, {pipeline_mode = #tpu.pipeline_mode<synchronous>, transform_indices = @transform_9, window_bounds = array<i64: 64, 32>}, {pipeline_mode = #tpu.pipeline_mode<synchronous>, transform_indices = @transform_10, window_bounds = array<i64: 64, 32>}, {pipeline_mode = #tpu.pipeline_mode<synchronous>, transform_indices = @transform_11, window_bounds = array<i64: 64, 32>}, {pipeline_mode = #tpu.pipeline_mode<synchronous>, transform_indices = @transform_12, window_bounds = array<i64: 64, 32>}, {pipeline_mode = #tpu.pipeline_mode<synchronous>, transform_indices = @transform_13, window_bounds = array<i64: 64, 32>}, {pipeline_mode = #tpu.pipeline_mode<synchronous>, transform_indices = @transform_14, window_bounds = array<i64: 64, 32>}, {pipeline_mode = #tpu.pipeline_mode<synchronous>, transform_indices = @transform_15, window_bounds = array<i64: 64, 32>}, {pipeline_mode = #tpu.pipeline_mode<synchronous>, transform_indices = @transform_16, window_bounds = array<i64: 64, 32>}, {pipeline_mode = #tpu.pipeline_mode<synchronous>, transform_indices = @transform_17, window_bounds = array<i64: 64, 32>}, {pipeline_mode = #tpu.pipeline_mode<synchronous>, transform_indices = @transform_18, window_bounds = array<i64: 64, 32>}, {pipeline_mode = #tpu.pipeline_mode<synchronous>, transform_indices = @transform_19, window_bounds = array<i64: 32, 4>}, {pipeline_mode = #tpu.pipeline_mode<synchronous>, transform_indices = @transform_20, window_bounds = array<i64: 32, 4>}, {pipeline_mode = #tpu.pipeline_mode<synchronous>, transform_indices = @transform_21, window_bounds = array<i64: 32, 4>}, {pipeline_mode = #tpu.pipeline_mode<synchronous>, transform_indices = @transform_22, window_bounds = array<i64: 32, 4>}, {pipeline_mode = #tpu.pipeline_mode<synchronous>, transform_indices = @transform_23, window_bounds = array<i64: 32, 4>}, {transform_indices = @transform_24, window_bounds = array<i64: 1, 208, 48>}]} {
    %get3A = arith.constant 0 : index
    %get3A_0 = arith.constant 0 : index
    %get3A_1 = vector.load %arg6[%get3A, %get3A_0] : memref<32x32xf32, #tpu.memory_space<vmem>>, vector<32x32xf32>
    %get3A_2 = arith.constant 0 : index
    %get3A_3 = arith.constant 0 : index
    %get3A_4 = arith.constant 0 : index
    %get3A_5 = vector.load %arg1[%get3A_2, %get3A_3, %get3A_4] : memref<1x208x24xf32, #tpu.memory_space<vmem>>, vector<1x208x24xf32>
    %get3A_6 = vector.shape_cast %get3A_5 : vector<1x208x24xf32> to vector<208x24xf32>
    %reshape3A = vector.shape_cast %get3A_6 : vector<208x24xf32> to vector<208x12x2xf32>
    %get3A_7 = arith.constant 0 : index
    %get3A_8 = arith.constant 0 : index
    %get3A_9 = vector.load %arg7[%get3A_7, %get3A_8] : memref<2x32xf32, #tpu.memory_space<vmem>>, vector<2x32xf32>
    %dot_general3A = arith.constant dense<0.000000e+00> : vector<208x12x32xf32>
    %dot_general3A_10 = tpu.matmul %reshape3A, %get3A_9, %dot_general3A {dimension_numbers = #tpu.dot_dimension_numbers<[2], [0], [0, 1], [1], [0, 0, 0, 1, 1, 1], [], []>, transpose_lhs_hint = false} : vector<208x12x2xf32>, vector<2x32xf32>, vector<208x12x32xf32> -> vector<208x12x32xf32>
    %exp3A = math.exp %dot_general3A_10 : vector<208x12x32xf32>
    %dot_general3A_11 = arith.constant dense<0.000000e+00> : vector<208x12x32xf32>
    %dot_general3A_12 = tpu.matmul %exp3A, %get3A_1, %dot_general3A_11 {dimension_numbers = #tpu.dot_dimension_numbers<[2], [0], [0, 1], [1], [0, 0, 0, 1, 1, 1], [], []>, transpose_lhs_hint = false} : vector<208x12x32xf32>, vector<32x32xf32>, vector<208x12x32xf32> -> vector<208x12x32xf32>
    %mul3A = arith.mulf %dot_general3A_12, %dot_general3A_12 : vector<208x12x32xf32>
    %get3A_13 = arith.constant 0 : index
    %get3A_14 = arith.constant 0 : index
    %get3A_15 = vector.load %arg20[%get3A_13, %get3A_14] : memref<32x4xf32, #tpu.memory_space<vmem>>, vector<32x4xf32>
    %dot_general3A_16 = arith.constant dense<0.000000e+00> : vector<208x12x4xf32>
    %dot_general3A_17 = tpu.matmul %mul3A, %get3A_15, %dot_general3A_16 {dimension_numbers = #tpu.dot_dimension_numbers<[2], [0], [0, 1], [1], [0, 0, 0, 1, 1, 1], [], []>, transpose_lhs_hint = false} : vector<208x12x32xf32>, vector<32x4xf32>, vector<208x12x4xf32> -> vector<208x12x4xf32>
    %get3A_18 = arith.constant 0 : index
    %get3A_19 = arith.constant 0 : index
    %get3A_20 = arith.constant 0 : index
    %get3A_21 = vector.load %arg2[%get3A_18, %get3A_19, %get3A_20] : memref<1x208x768xf32, #tpu.memory_space<vmem>>, vector<1x208x768xf32>
    %get3A_22 = vector.shape_cast %get3A_21 : vector<1x208x768xf32> to vector<208x768xf32>
    %reshape3A_23 = vector.shape_cast %get3A_22 : vector<208x768xf32> to vector<208x12x64xf32>
    %get3A_24 = arith.constant 0 : index
    %get3A_25 = arith.constant 0 : index
    %get3A_26 = vector.load %arg8[%get3A_24, %get3A_25] : memref<64x32xf32, #tpu.memory_space<vmem>>, vector<64x32xf32>
    %dot_general3A_27 = arith.constant dense<0.000000e+00> : vector<208x12x32xf32>
    %dot_general3A_28 = tpu.matmul %reshape3A_23, %get3A_26, %dot_general3A_27 {dimension_numbers = #tpu.dot_dimension_numbers<[2], [0], [0, 1], [1], [0, 0, 0, 1, 1, 1], [], []>, transpose_lhs_hint = false} : vector<208x12x64xf32>, vector<64x32xf32>, vector<208x12x32xf32> -> vector<208x12x32xf32>
    %get3A_29 = arith.constant 0 : index
    %get3A_30 = arith.constant 0 : index
    %get3A_31 = vector.load %arg12[%get3A_29, %get3A_30] : memref<64x32xf32, #tpu.memory_space<vmem>>, vector<64x32xf32>
    %dot_general3A_32 = arith.constant dense<0.000000e+00> : vector<208x12x32xf32>
    %dot_general3A_33 = tpu.matmul %reshape3A_23, %get3A_31, %dot_general3A_32 {dimension_numbers = #tpu.dot_dimension_numbers<[2], [0], [0, 1], [1], [0, 0, 0, 1, 1, 1], [], []>, transpose_lhs_hint = false} : vector<208x12x64xf32>, vector<64x32xf32>, vector<208x12x32xf32> -> vector<208x12x32xf32>
    %get3A_34 = arith.constant 0 : index
    %get3A_35 = arith.constant 0 : index
    %get3A_36 = vector.load %arg16[%get3A_34, %get3A_35] : memref<64x32xf32, #tpu.memory_space<vmem>>, vector<64x32xf32>
    %dot_general3A_37 = arith.constant dense<0.000000e+00> : vector<208x12x32xf32>
    %dot_general3A_38 = tpu.matmul %reshape3A_23, %get3A_36, %dot_general3A_37 {dimension_numbers = #tpu.dot_dimension_numbers<[2], [0], [0, 1], [1], [0, 0, 0, 1, 1, 1], [], []>, transpose_lhs_hint = false} : vector<208x12x64xf32>, vector<64x32xf32>, vector<208x12x32xf32> -> vector<208x12x32xf32>
    %dot_general3A_39 = arith.constant dense<0.000000e+00> : vector<208x12x12xf32>
    %dot_general3A_40 = tpu.matmul %dot_general3A_28, %dot_general3A_33, %dot_general3A_39 {dimension_numbers = #tpu.dot_dimension_numbers<[2], [2], [1], [1], [0, 0, 0, 1, 1, 1], [0], [0]>, transpose_lhs_hint = false} : vector<208x12x32xf32>, vector<208x12x32xf32>, vector<208x12x12xf32> -> vector<208x12x12xf32>
    %sub3A = arith.constant 1.500000e+01 : f32
    %sub3A_41 = vector.broadcast %sub3A : f32 to vector<208x12x12xf32>
    %sub3A_42 = arith.subf %dot_general3A_40, %sub3A_41 : vector<208x12x12xf32>
    %exp3A_43 = math.exp %sub3A_42 : vector<208x12x12xf32>
    %dot_general3A_44 = arith.constant dense<0.000000e+00> : vector<208x12x32xf32>
    %dot_general3A_45 = tpu.matmul %exp3A_43, %dot_general3A_38, %dot_general3A_44 {dimension_numbers = #tpu.dot_dimension_numbers<[2], [1], [1], [2], [0, 0, 0, 1, 1, 2], [0], [0]>, transpose_lhs_hint = false} : vector<208x12x12xf32>, vector<208x12x32xf32>, vector<208x12x32xf32> -> vector<208x12x32xf32>
    %get3A_46 = arith.constant 0 : index
    %get3A_47 = arith.constant 0 : index
    %get3A_48 = vector.load %arg21[%get3A_46, %get3A_47] : memref<32x4xf32, #tpu.memory_space<vmem>>, vector<32x4xf32>
    %mul3A_49 = arith.mulf %dot_general3A_12, %dot_general3A_45 : vector<208x12x32xf32>
    %dot_general3A_50 = arith.constant dense<0.000000e+00> : vector<208x12x4xf32>
    %dot_general3A_51 = tpu.matmul %mul3A_49, %get3A_48, %dot_general3A_50 {dimension_numbers = #tpu.dot_dimension_numbers<[2], [0], [0, 1], [1], [0, 0, 0, 1, 1, 1], [], []>, transpose_lhs_hint = false} : vector<208x12x32xf32>, vector<32x4xf32>, vector<208x12x4xf32> -> vector<208x12x4xf32>
    %mul3A_52 = arith.mulf %dot_general3A_45, %dot_general3A_45 : vector<208x12x32xf32>
    %dot_general3A_53 = arith.constant dense<0.000000e+00> : vector<208x12x4xf32>
    %dot_general3A_54 = tpu.matmul %mul3A_52, %get3A_48, %dot_general3A_53 {dimension_numbers = #tpu.dot_dimension_numbers<[2], [0], [0, 1], [1], [0, 0, 0, 1, 1, 1], [], []>, transpose_lhs_hint = false} : vector<208x12x32xf32>, vector<32x4xf32>, vector<208x12x4xf32> -> vector<208x12x4xf32>
    %get3A_55 = arith.constant 0 : index
    %get3A_56 = arith.constant 0 : index
    %get3A_57 = arith.constant 0 : index
    %get3A_58 = vector.load %arg3[%get3A_55, %get3A_56, %get3A_57] : memref<1x208x768xf32, #tpu.memory_space<vmem>>, vector<1x208x768xf32>
    %get3A_59 = vector.shape_cast %get3A_58 : vector<1x208x768xf32> to vector<208x768xf32>
    %reshape3A_60 = vector.shape_cast %get3A_59 : vector<208x768xf32> to vector<208x12x64xf32>
    %get3A_61 = arith.constant 0 : index
    %get3A_62 = arith.constant 0 : index
    %get3A_63 = vector.load %arg9[%get3A_61, %get3A_62] : memref<64x32xf32, #tpu.memory_space<vmem>>, vector<64x32xf32>
    %dot_general3A_64 = arith.constant dense<0.000000e+00> : vector<208x12x32xf32>
    %dot_general3A_65 = tpu.matmul %reshape3A_60, %get3A_63, %dot_general3A_64 {dimension_numbers = #tpu.dot_dimension_numbers<[2], [0], [0, 1], [1], [0, 0, 0, 1, 1, 1], [], []>, transpose_lhs_hint = false} : vector<208x12x64xf32>, vector<64x32xf32>, vector<208x12x32xf32> -> vector<208x12x32xf32>
    %get3A_66 = arith.constant 0 : index
    %get3A_67 = arith.constant 0 : index
    %get3A_68 = vector.load %arg13[%get3A_66, %get3A_67] : memref<64x32xf32, #tpu.memory_space<vmem>>, vector<64x32xf32>
    %dot_general3A_69 = arith.constant dense<0.000000e+00> : vector<208x12x32xf32>
    %dot_general3A_70 = tpu.matmul %reshape3A_60, %get3A_68, %dot_general3A_69 {dimension_numbers = #tpu.dot_dimension_numbers<[2], [0], [0, 1], [1], [0, 0, 0, 1, 1, 1], [], []>, transpose_lhs_hint = false} : vector<208x12x64xf32>, vector<64x32xf32>, vector<208x12x32xf32> -> vector<208x12x32xf32>
    %get3A_71 = arith.constant 0 : index
    %get3A_72 = arith.constant 0 : index
    %get3A_73 = vector.load %arg17[%get3A_71, %get3A_72] : memref<64x32xf32, #tpu.memory_space<vmem>>, vector<64x32xf32>
    %dot_general3A_74 = arith.constant dense<0.000000e+00> : vector<208x12x32xf32>
    %dot_general3A_75 = tpu.matmul %reshape3A_60, %get3A_73, %dot_general3A_74 {dimension_numbers = #tpu.dot_dimension_numbers<[2], [0], [0, 1], [1], [0, 0, 0, 1, 1, 1], [], []>, transpose_lhs_hint = false} : vector<208x12x64xf32>, vector<64x32xf32>, vector<208x12x32xf32> -> vector<208x12x32xf32>
    %dot_general3A_76 = arith.constant dense<0.000000e+00> : vector<208x12x12xf32>
    %dot_general3A_77 = tpu.matmul %dot_general3A_65, %dot_general3A_70, %dot_general3A_76 {dimension_numbers = #tpu.dot_dimension_numbers<[2], [2], [1], [1], [0, 0, 0, 1, 1, 1], [0], [0]>, transpose_lhs_hint = false} : vector<208x12x32xf32>, vector<208x12x32xf32>, vector<208x12x12xf32> -> vector<208x12x12xf32>
    %sub3A_78 = arith.constant 1.500000e+01 : f32
    %sub3A_79 = vector.broadcast %sub3A_78 : f32 to vector<208x12x12xf32>
    %sub3A_80 = arith.subf %dot_general3A_77, %sub3A_79 : vector<208x12x12xf32>
    %exp3A_81 = math.exp %sub3A_80 : vector<208x12x12xf32>
    %dot_general3A_82 = arith.constant dense<0.000000e+00> : vector<208x12x32xf32>
    %dot_general3A_83 = tpu.matmul %exp3A_81, %dot_general3A_75, %dot_general3A_82 {dimension_numbers = #tpu.dot_dimension_numbers<[2], [1], [1], [2], [0, 0, 0, 1, 1, 2], [0], [0]>, transpose_lhs_hint = false} : vector<208x12x12xf32>, vector<208x12x32xf32>, vector<208x12x32xf32> -> vector<208x12x32xf32>
    %get3A_84 = arith.constant 0 : index
    %get3A_85 = arith.constant 0 : index
    %get3A_86 = vector.load %arg22[%get3A_84, %get3A_85] : memref<32x4xf32, #tpu.memory_space<vmem>>, vector<32x4xf32>
    %mul3A_87 = arith.mulf %dot_general3A_12, %dot_general3A_83 : vector<208x12x32xf32>
    %dot_general3A_88 = arith.constant dense<0.000000e+00> : vector<208x12x4xf32>
    %dot_general3A_89 = tpu.matmul %mul3A_87, %get3A_86, %dot_general3A_88 {dimension_numbers = #tpu.dot_dimension_numbers<[2], [0], [0, 1], [1], [0, 0, 0, 1, 1, 1], [], []>, transpose_lhs_hint = false} : vector<208x12x32xf32>, vector<32x4xf32>, vector<208x12x4xf32> -> vector<208x12x4xf32>
    %mul3A_90 = arith.mulf %dot_general3A_83, %dot_general3A_83 : vector<208x12x32xf32>
    %dot_general3A_91 = arith.constant dense<0.000000e+00> : vector<208x12x4xf32>
    %dot_general3A_92 = tpu.matmul %mul3A_90, %get3A_86, %dot_general3A_91 {dimension_numbers = #tpu.dot_dimension_numbers<[2], [0], [0, 1], [1], [0, 0, 0, 1, 1, 1], [], []>, transpose_lhs_hint = false} : vector<208x12x32xf32>, vector<32x4xf32>, vector<208x12x4xf32> -> vector<208x12x4xf32>
    %add3A = arith.addf %dot_general3A_51, %dot_general3A_89 : vector<208x12x4xf32>
    %add3A_93 = arith.addf %dot_general3A_54, %dot_general3A_92 : vector<208x12x4xf32>
    %get3A_94 = arith.constant 0 : index
    %get3A_95 = arith.constant 0 : index
    %get3A_96 = arith.constant 0 : index
    %get3A_97 = vector.load %arg4[%get3A_94, %get3A_95, %get3A_96] : memref<1x208x768xf32, #tpu.memory_space<vmem>>, vector<1x208x768xf32>
    %get3A_98 = vector.shape_cast %get3A_97 : vector<1x208x768xf32> to vector<208x768xf32>
    %reshape3A_99 = vector.shape_cast %get3A_98 : vector<208x768xf32> to vector<208x12x64xf32>
    %get3A_100 = arith.constant 0 : index
    %get3A_101 = arith.constant 0 : index
    %get3A_102 = vector.load %arg10[%get3A_100, %get3A_101] : memref<64x32xf32, #tpu.memory_space<vmem>>, vector<64x32xf32>
    %dot_general3A_103 = arith.constant dense<0.000000e+00> : vector<208x12x32xf32>
    %dot_general3A_104 = tpu.matmul %reshape3A_99, %get3A_102, %dot_general3A_103 {dimension_numbers = #tpu.dot_dimension_numbers<[2], [0], [0, 1], [1], [0, 0, 0, 1, 1, 1], [], []>, transpose_lhs_hint = false} : vector<208x12x64xf32>, vector<64x32xf32>, vector<208x12x32xf32> -> vector<208x12x32xf32>
    %get3A_105 = arith.constant 0 : index
    %get3A_106 = arith.constant 0 : index
    %get3A_107 = vector.load %arg14[%get3A_105, %get3A_106] : memref<64x32xf32, #tpu.memory_space<vmem>>, vector<64x32xf32>
    %dot_general3A_108 = arith.constant dense<0.000000e+00> : vector<208x12x32xf32>
    %dot_general3A_109 = tpu.matmul %reshape3A_99, %get3A_107, %dot_general3A_108 {dimension_numbers = #tpu.dot_dimension_numbers<[2], [0], [0, 1], [1], [0, 0, 0, 1, 1, 1], [], []>, transpose_lhs_hint = false} : vector<208x12x64xf32>, vector<64x32xf32>, vector<208x12x32xf32> -> vector<208x12x32xf32>
    %get3A_110 = arith.constant 0 : index
    %get3A_111 = arith.constant 0 : index
    %get3A_112 = vector.load %arg18[%get3A_110, %get3A_111] : memref<64x32xf32, #tpu.memory_space<vmem>>, vector<64x32xf32>
    %dot_general3A_113 = arith.constant dense<0.000000e+00> : vector<208x12x32xf32>
    %dot_general3A_114 = tpu.matmul %reshape3A_99, %get3A_112, %dot_general3A_113 {dimension_numbers = #tpu.dot_dimension_numbers<[2], [0], [0, 1], [1], [0, 0, 0, 1, 1, 1], [], []>, transpose_lhs_hint = false} : vector<208x12x64xf32>, vector<64x32xf32>, vector<208x12x32xf32> -> vector<208x12x32xf32>
    %dot_general3A_115 = arith.constant dense<0.000000e+00> : vector<208x12x12xf32>
    %dot_general3A_116 = tpu.matmul %dot_general3A_104, %dot_general3A_109, %dot_general3A_115 {dimension_numbers = #tpu.dot_dimension_numbers<[2], [2], [1], [1], [0, 0, 0, 1, 1, 1], [0], [0]>, transpose_lhs_hint = false} : vector<208x12x32xf32>, vector<208x12x32xf32>, vector<208x12x12xf32> -> vector<208x12x12xf32>
    %sub3A_117 = arith.constant 1.500000e+01 : f32
    %sub3A_118 = vector.broadcast %sub3A_117 : f32 to vector<208x12x12xf32>
    %sub3A_119 = arith.subf %dot_general3A_116, %sub3A_118 : vector<208x12x12xf32>
    %exp3A_120 = math.exp %sub3A_119 : vector<208x12x12xf32>
    %dot_general3A_121 = arith.constant dense<0.000000e+00> : vector<208x12x32xf32>
    %dot_general3A_122 = tpu.matmul %exp3A_120, %dot_general3A_114, %dot_general3A_121 {dimension_numbers = #tpu.dot_dimension_numbers<[2], [1], [1], [2], [0, 0, 0, 1, 1, 2], [0], [0]>, transpose_lhs_hint = false} : vector<208x12x12xf32>, vector<208x12x32xf32>, vector<208x12x32xf32> -> vector<208x12x32xf32>
    %get3A_123 = arith.constant 0 : index
    %get3A_124 = arith.constant 0 : index
    %get3A_125 = vector.load %arg23[%get3A_123, %get3A_124] : memref<32x4xf32, #tpu.memory_space<vmem>>, vector<32x4xf32>
    %mul3A_126 = arith.mulf %dot_general3A_12, %dot_general3A_122 : vector<208x12x32xf32>
    %dot_general3A_127 = arith.constant dense<0.000000e+00> : vector<208x12x4xf32>
    %dot_general3A_128 = tpu.matmul %mul3A_126, %get3A_125, %dot_general3A_127 {dimension_numbers = #tpu.dot_dimension_numbers<[2], [0], [0, 1], [1], [0, 0, 0, 1, 1, 1], [], []>, transpose_lhs_hint = false} : vector<208x12x32xf32>, vector<32x4xf32>, vector<208x12x4xf32> -> vector<208x12x4xf32>
    %mul3A_129 = arith.mulf %dot_general3A_122, %dot_general3A_122 : vector<208x12x32xf32>
    %dot_general3A_130 = arith.constant dense<0.000000e+00> : vector<208x12x4xf32>
    %dot_general3A_131 = tpu.matmul %mul3A_129, %get3A_125, %dot_general3A_130 {dimension_numbers = #tpu.dot_dimension_numbers<[2], [0], [0, 1], [1], [0, 0, 0, 1, 1, 1], [], []>, transpose_lhs_hint = false} : vector<208x12x32xf32>, vector<32x4xf32>, vector<208x12x4xf32> -> vector<208x12x4xf32>
    %add3A_132 = arith.addf %add3A, %dot_general3A_128 : vector<208x12x4xf32>
    %add3A_133 = arith.addf %add3A_93, %dot_general3A_131 : vector<208x12x4xf32>
    %get3A_134 = arith.constant 0 : index
    %get3A_135 = arith.constant 0 : index
    %get3A_136 = arith.constant 0 : index
    %get3A_137 = vector.load %arg5[%get3A_134, %get3A_135, %get3A_136] : memref<1x208x768xf32, #tpu.memory_space<vmem>>, vector<1x208x768xf32>
    %get3A_138 = vector.shape_cast %get3A_137 : vector<1x208x768xf32> to vector<208x768xf32>
    %reshape3A_139 = vector.shape_cast %get3A_138 : vector<208x768xf32> to vector<208x12x64xf32>
    %get3A_140 = arith.constant 0 : index
    %get3A_141 = arith.constant 0 : index
    %get3A_142 = vector.load %arg11[%get3A_140, %get3A_141] : memref<64x32xf32, #tpu.memory_space<vmem>>, vector<64x32xf32>
    %dot_general3A_143 = arith.constant dense<0.000000e+00> : vector<208x12x32xf32>
    %dot_general3A_144 = tpu.matmul %reshape3A_139, %get3A_142, %dot_general3A_143 {dimension_numbers = #tpu.dot_dimension_numbers<[2], [0], [0, 1], [1], [0, 0, 0, 1, 1, 1], [], []>, transpose_lhs_hint = false} : vector<208x12x64xf32>, vector<64x32xf32>, vector<208x12x32xf32> -> vector<208x12x32xf32>
    %get3A_145 = arith.constant 0 : index
    %get3A_146 = arith.constant 0 : index
    %get3A_147 = vector.load %arg15[%get3A_145, %get3A_146] : memref<64x32xf32, #tpu.memory_space<vmem>>, vector<64x32xf32>
    %dot_general3A_148 = arith.constant dense<0.000000e+00> : vector<208x12x32xf32>
    %dot_general3A_149 = tpu.matmul %reshape3A_139, %get3A_147, %dot_general3A_148 {dimension_numbers = #tpu.dot_dimension_numbers<[2], [0], [0, 1], [1], [0, 0, 0, 1, 1, 1], [], []>, transpose_lhs_hint = false} : vector<208x12x64xf32>, vector<64x32xf32>, vector<208x12x32xf32> -> vector<208x12x32xf32>
    %get3A_150 = arith.constant 0 : index
    %get3A_151 = arith.constant 0 : index
    %get3A_152 = vector.load %arg19[%get3A_150, %get3A_151] : memref<64x32xf32, #tpu.memory_space<vmem>>, vector<64x32xf32>
    %dot_general3A_153 = arith.constant dense<0.000000e+00> : vector<208x12x32xf32>
    %dot_general3A_154 = tpu.matmul %reshape3A_139, %get3A_152, %dot_general3A_153 {dimension_numbers = #tpu.dot_dimension_numbers<[2], [0], [0, 1], [1], [0, 0, 0, 1, 1, 1], [], []>, transpose_lhs_hint = false} : vector<208x12x64xf32>, vector<64x32xf32>, vector<208x12x32xf32> -> vector<208x12x32xf32>
    %dot_general3A_155 = arith.constant dense<0.000000e+00> : vector<208x12x12xf32>
    %dot_general3A_156 = tpu.matmul %dot_general3A_144, %dot_general3A_149, %dot_general3A_155 {dimension_numbers = #tpu.dot_dimension_numbers<[2], [2], [1], [1], [0, 0, 0, 1, 1, 1], [0], [0]>, transpose_lhs_hint = false} : vector<208x12x32xf32>, vector<208x12x32xf32>, vector<208x12x12xf32> -> vector<208x12x12xf32>
    %sub3A_157 = arith.constant 1.500000e+01 : f32
    %sub3A_158 = vector.broadcast %sub3A_157 : f32 to vector<208x12x12xf32>
    %sub3A_159 = arith.subf %dot_general3A_156, %sub3A_158 : vector<208x12x12xf32>
    %exp3A_160 = math.exp %sub3A_159 : vector<208x12x12xf32>
    %dot_general3A_161 = arith.constant dense<0.000000e+00> : vector<208x12x32xf32>
    %dot_general3A_162 = tpu.matmul %exp3A_160, %dot_general3A_154, %dot_general3A_161 {dimension_numbers = #tpu.dot_dimension_numbers<[2], [1], [1], [2], [0, 0, 0, 1, 1, 2], [0], [0]>, transpose_lhs_hint = false} : vector<208x12x12xf32>, vector<208x12x32xf32>, vector<208x12x32xf32> -> vector<208x12x32xf32>
    %get3A_163 = arith.constant 0 : index
    %get3A_164 = arith.constant 0 : index
    %get3A_165 = vector.load %arg24[%get3A_163, %get3A_164] : memref<32x4xf32, #tpu.memory_space<vmem>>, vector<32x4xf32>
    %mul3A_166 = arith.mulf %dot_general3A_12, %dot_general3A_162 : vector<208x12x32xf32>
    %dot_general3A_167 = arith.constant dense<0.000000e+00> : vector<208x12x4xf32>
    %dot_general3A_168 = tpu.matmul %mul3A_166, %get3A_165, %dot_general3A_167 {dimension_numbers = #tpu.dot_dimension_numbers<[2], [0], [0, 1], [1], [0, 0, 0, 1, 1, 1], [], []>, transpose_lhs_hint = false} : vector<208x12x32xf32>, vector<32x4xf32>, vector<208x12x4xf32> -> vector<208x12x4xf32>
    %mul3A_169 = arith.mulf %dot_general3A_162, %dot_general3A_162 : vector<208x12x32xf32>
    %dot_general3A_170 = arith.constant dense<0.000000e+00> : vector<208x12x4xf32>
    %dot_general3A_171 = tpu.matmul %mul3A_169, %get3A_165, %dot_general3A_170 {dimension_numbers = #tpu.dot_dimension_numbers<[2], [0], [0, 1], [1], [0, 0, 0, 1, 1, 1], [], []>, transpose_lhs_hint = false} : vector<208x12x32xf32>, vector<32x4xf32>, vector<208x12x4xf32> -> vector<208x12x4xf32>
    %add3A_172 = arith.addf %add3A_132, %dot_general3A_168 : vector<208x12x4xf32>
    %add3A_173 = arith.addf %add3A_133, %dot_general3A_171 : vector<208x12x4xf32>
    %max3A = arith.constant 1.000000e-16 : f32
    %max3A_174 = vector.broadcast %max3A : f32 to vector<208x12x4xf32>
    %max3A_175 = arith.maximumf %dot_general3A_17, %max3A_174 : vector<208x12x4xf32>
    %rsqrt3A = math.rsqrt %max3A_175 : vector<208x12x4xf32>
    %mul3A_176 = arith.mulf %add3A_172, %rsqrt3A : vector<208x12x4xf32>
    %max3A_177 = arith.constant 1.000000e-16 : f32
    %max3A_178 = vector.broadcast %max3A_177 : f32 to vector<208x12x4xf32>
    %max3A_179 = arith.maximumf %add3A_173, %max3A_178 : vector<208x12x4xf32>
    %rsqrt3A_180 = math.rsqrt %max3A_179 : vector<208x12x4xf32>
    %mul3A_181 = arith.mulf %mul3A_176, %rsqrt3A_180 : vector<208x12x4xf32>
    %reshape3A_182 = vector.shape_cast %mul3A_181 : vector<208x12x4xf32> to vector<208x48xf32>
    %swap3A = arith.constant 0 : index
    %swap3A_183 = arith.constant 0 : index
    %swap3A_184 = arith.constant 0 : index
    %swap3A_185 = vector.load %arg25[%swap3A, %swap3A_183, %swap3A_184] : memref<1x208x48xf32, #tpu.memory_space<vmem>>, vector<1x208x48xf32>
    %swap3A_186 = vector.shape_cast %swap3A_185 : vector<1x208x48xf32> to vector<208x48xf32>
    %swap3A_187 = vector.shape_cast %reshape3A_182 : vector<208x48xf32> to vector<1x208x48xf32>
    tpu.vector_store %arg25[%swap3A, %swap3A_183, %swap3A_184], %swap3A_187 {strides = array<i32>} : memref<1x208x48xf32, #tpu.memory_space<vmem>>, vector<1x208x48xf32>,
    return
  }
  func.func @transform_0(%arg0: i32) -> (i32, i32, i32) {
    %c0_i32 = arith.constant 0 : i32
    %c0_i32_0 = arith.constant 0 : i32
    %c0_i32_1 = arith.constant 0 : i32
    return %arg0, %c0_i32, %c0_i32_0 : i32, i32, i32
  }
  func.func @transform_1(%arg0: i32) -> (i32, i32, i32) {
    %c0_i32 = arith.constant 0 : i32
    %c0_i32_0 = arith.constant 0 : i32
    %c0_i32_1 = arith.constant 0 : i32
    return %arg0, %c0_i32, %c0_i32_0 : i32, i32, i32
  }
  func.func @transform_2(%arg0: i32) -> (i32, i32, i32) {
    %c0_i32 = arith.constant 0 : i32
    %c0_i32_0 = arith.constant 0 : i32
    %c0_i32_1 = arith.constant 0 : i32
    return %arg0, %c0_i32, %c0_i32_0 : i32, i32, i32
  }
  func.func @transform_3(%arg0: i32) -> (i32, i32, i32) {
    %c0_i32 = arith.constant 0 : i32
    %c0_i32_0 = arith.constant 0 : i32
    %c0_i32_1 = arith.constant 0 : i32
    return %arg0, %c0_i32, %c0_i32_0 : i32, i32, i32
  }
  func.func @transform_4(%arg0: i32) -> (i32, i32, i32) {
    %c0_i32 = arith.constant 0 : i32
    %c0_i32_0 = arith.constant 0 : i32
    %c0_i32_1 = arith.constant 0 : i32
    return %arg0, %c0_i32, %c0_i32_0 : i32, i32, i32
  }
  func.func @transform_5(%arg0: i32) -> (i32, i32) {
    %c0_i32 = arith.constant 0 : i32
    %c0_i32_0 = arith.constant 0 : i32
    %c0_i32_1 = arith.constant 0 : i32
    return %c0_i32, %c0_i32_0 : i32, i32
  }
  func.func @transform_6(%arg0: i32) -> (i32, i32) {
    %c0_i32 = arith.constant 0 : i32
    %c0_i32_0 = arith.constant 0 : i32
    %c0_i32_1 = arith.constant 0 : i32
    return %c0_i32, %c0_i32_0 : i32, i32
  }
  func.func @transform_7(%arg0: i32) -> (i32, i32) {
    %c0_i32 = arith.constant 0 : i32
    %c0_i32_0 = arith.constant 0 : i32
    %c0_i32_1 = arith.constant 0 : i32
    return %c0_i32, %c0_i32_0 : i32, i32
  }
  func.func @transform_8(%arg0: i32) -> (i32, i32) {
    %c0_i32 = arith.constant 0 : i32
    %c0_i32_0 = arith.constant 0 : i32
    %c0_i32_1 = arith.constant 0 : i32
    return %c0_i32, %c0_i32_0 : i32, i32
  }
  func.func @transform_9(%arg0: i32) -> (i32, i32) {
    %c0_i32 = arith.constant 0 : i32
    %c0_i32_0 = arith.constant 0 : i32
    %c0_i32_1 = arith.constant 0 : i32
    return %c0_i32, %c0_i32_0 : i32, i32
  }
  func.func @transform_10(%arg0: i32) -> (i32, i32) {
    %c0_i32 = arith.constant 0 : i32
    %c0_i32_0 = arith.constant 0 : i32
    %c0_i32_1 = arith.constant 0 : i32
    return %c0_i32, %c0_i32_0 : i32, i32
  }
  func.func @transform_11(%arg0: i32) -> (i32, i32) {
    %c0_i32 = arith.constant 0 : i32
    %c0_i32_0 = arith.constant 0 : i32
    %c0_i32_1 = arith.constant 0 : i32
    return %c0_i32, %c0_i32_0 : i32, i32
  }
  func.func @transform_12(%arg0: i32) -> (i32, i32) {
    %c0_i32 = arith.constant 0 : i32
    %c0_i32_0 = arith.constant 0 : i32
    %c0_i32_1 = arith.constant 0 : i32
    return %c0_i32, %c0_i32_0 : i32, i32
  }
  func.func @transform_13(%arg0: i32) -> (i32, i32) {
    %c0_i32 = arith.constant 0 : i32
    %c0_i32_0 = arith.constant 0 : i32
    %c0_i32_1 = arith.constant 0 : i32
    return %c0_i32, %c0_i32_0 : i32, i32
  }
  func.func @transform_14(%arg0: i32) -> (i32, i32) {
    %c0_i32 = arith.constant 0 : i32
    %c0_i32_0 = arith.constant 0 : i32
    %c0_i32_1 = arith.constant 0 : i32
    return %c0_i32, %c0_i32_0 : i32, i32
  }
  func.func @transform_15(%arg0: i32) -> (i32, i32) {
    %c0_i32 = arith.constant 0 : i32
    %c0_i32_0 = arith.constant 0 : i32
    %c0_i32_1 = arith.constant 0 : i32
    return %c0_i32, %c0_i32_0 : i32, i32
  }
  func.func @transform_16(%arg0: i32) -> (i32, i32) {
    %c0_i32 = arith.constant 0 : i32
    %c0_i32_0 = arith.constant 0 : i32
    %c0_i32_1 = arith.constant 0 : i32
    return %c0_i32, %c0_i32_0 : i32, i32
  }
  func.func @transform_17(%arg0: i32) -> (i32, i32) {
    %c0_i32 = arith.constant 0 : i32
    %c0_i32_0 = arith.constant 0 : i32
    %c0_i32_1 = arith.constant 0 : i32
    return %c0_i32, %c0_i32_0 : i32, i32
  }
  func.func @transform_18(%arg0: i32) -> (i32, i32) {
    %c0_i32 = arith.constant 0 : i32
    %c0_i32_0 = arith.constant 0 : i32
    %c0_i32_1 = arith.constant 0 : i32
    return %c0_i32, %c0_i32_0 : i32, i32
  }
  func.func @transform_19(%arg0: i32) -> (i32, i32) {
    %c0_i32 = arith.constant 0 : i32
    %c0_i32_0 = arith.constant 0 : i32
    %c0_i32_1 = arith.constant 0 : i32
    return %c0_i32, %c0_i32_0 : i32, i32
  }
  func.func @transform_20(%arg0: i32) -> (i32, i32) {
    %c0_i32 = arith.constant 0 : i32
    %c0_i32_0 = arith.constant 0 : i32
    %c0_i32_1 = arith.constant 0 : i32
    return %c0_i32, %c0_i32_0 : i32, i32
  }
  func.func @transform_21(%arg0: i32) -> (i32, i32) {
    %c0_i32 = arith.constant 0 : i32
    %c0_i32_0 = arith.constant 0 : i32
    %c0_i32_1 = arith.constant 0 : i32
    return %c0_i32, %c0_i32_0 : i32, i32
  }
  func.func @transform_22(%arg0: i32) -> (i32, i32) {
    %c0_i32 = arith.constant 0 : i32
    %c0_i32_0 = arith.constant 0 : i32
    %c0_i32_1 = arith.constant 0 : i32
    return %c0_i32, %c0_i32_0 : i32, i32
  }
  func.func @transform_23(%arg0: i32) -> (i32, i32) {
    %c0_i32 = arith.constant 0 : i32
    %c0_i32_0 = arith.constant 0 : i32
    %c0_i32_1 = arith.constant 0 : i32
    return %c0_i32, %c0_i32_0 : i32, i32
  }
  func.func @transform_24(%arg0: i32) -> (i32, i32, i32) {
    %c0_i32 = arith.constant 0 : i32
    %c0_i32_0 = arith.constant 0 : i32
    %c0_i32_1 = arith.constant 0 : i32
    return %arg0, %c0_i32, %c0_i32_0 : i32, i32, i32
  }
}

</mosaic_0001>

<sc_bundles>
// kernel: sparse-core-data-format-call.1.cloned.1.call-start
scs
called_computation.1_lowered:
.L_overlay_start_0:
0x0: {  	s2 =	sld [smem:$0x3FD9]  }
0x1: {  	s3 =	sld [smem:$0x3FFE];
	_ =	sdelay $0x1  }
0x2: {  	s1 =	srdreg.scid  }
0x3: {  	s0 =	sand.u32 $0x1, s1  }
0x4: {  	s18 =	sshll.u32 s0, $0xA;
	s2 =	sadd.s32 s3, s2  }
0x5: {  	s2 =	sadd.s32 s2, s18  }
0x6: {  	[smem:$0x3FB5] =	sst s2  }
0x7: {  	_ = 	snop  }
0x8: {  	s19 =	sld [smem:$0x3FC6];
	(tm) =	ssettm $0x1  }
0x9: {  	s20 =	sld [smem:$0x3FFB];
	_ =	sdelay $0x3  }
0xa: {  	_ =	strace s20  }
0xb: {  	s2 =	sld [smem:$0x3FFC];
	_ =	sdelay $0x3  }
0xc: {  	_ =	strace s2  }
0xd: {  	s2 =	sld [smem:$0x3FFD];
	_ =	sdelay $0x3  }
0xe: {  	_ =	strace s2  }
0xf: {  	_ =	strace $0x8FFFFFFF  }
0x10: {  	s21 =	sld [smem:$0x3FDB];
	_ =	sdelay $0x1  }
0x11: {  	s4 =	simm.s32 $_scs_section_size  }
0x12: {  	s5 =	simm.s32 $_size__tile_overlayer_lowered;
	s6 =	simm.s32 $_tile_overlayer_lowered  }
0x13: {  	s7 =	simm.s32 $0x1BFF;
	s22 =	sshll.u32 s6, $0x1;
	s4 =	sadd.s32 s4, s21  }
0x14: {  	s23 =	simm.s32 $0x0;
	s5 =	sshll.u32 s5, $0x1;
	s6 =	sadd.s32 s22, s4  }
0x15: {  	[timem:s23], [sflag:s7] =	dma.local [hbm:s6], s5  }
0x16: {  	_ =	swait.ge [sflag:s7], s5  }
0x17: {  	s5 =	ssub.s32 $0x0, s5;
	[sflag:s7] =	ssyncset.done $0x0  }
0x18: {  	[sflag:s7] =	ssyncadd.s32 s5;
	_ =	sdelay $0x1  }
0x19: {  	s24 =	simm.s32 $0x1B8B  }
0x1a: {  	_ =	swait.ge [sflag:s24], $0x1  }
0x1b: {  	[sflag:s24] =	ssyncset.done $0x0  }
0x1c: {  	[sflag:s24] =	ssyncadd.s32 $0xFFFFFFFF  }
0x1d: {  	s5 =	sld [smem:$0x0]  }
0x1e: {  	s6 =	sand.u32 $0xFFFFFFFE, s1  }
0x1f: {  	p0 =	sne.s32 s1, s6  }
0x20: {  	s6 =	sshll.u32 @p0 s6, $0xE  }
0x21: {  	s6 =	sadd.s32 @p0 $0x11B8D, s6;
	s7 =	sshll.u32 @p0 s5, $0x11  }
0x22: {  	s6 =	sor.u32 @p0 s7, s6  }
0x23: {  	[sflag:s6] =	ssyncadd.remote.s32 @p0 $0x1;
	_ =	sdelay $0x1  }
0x24: {  	s6 =	simm.s32 @p0 $0x1B8D  }
0x25: {  	_ =	swait.eq @p0 [sflag:s6], $0x1  }
0x26: {  	[sflag:s6] =	ssyncadd.s32 @p0 $0xFFFFFFFF  }
0x27: {  	s7 =	sshll.u32 @!p0 s1, $0xE  }
0x28: {  	s7 =	sor.u32 @!p0 $0x4000, s7;
	s6 =	simm.s32 @!p0 $0x1B8D  }
0x29: {  	s5 =	sshll.u32 @!p0 s5, $0x11;
	s7 =	sadd.s32 @!p0 $0x11B8D, s7;
	_ =	swait.eq @!p0 [sflag:s6], $0x1  }
0x2a: {  	s5 =	sor.u32 @!p0 s5, s7;
	[sflag:s6] =	ssyncadd.s32 @!p0 $0xFFFFFFFF  }
0x2b: {  	s26 =	simm.s32 $0x1B8E;
	s25 =	sld [smem:$0x3FFE];
	[sflag:s5] =	ssyncadd.remote.s32 @!p0 $0x1  }
0x2c: {  	s27 =	simm.s32 $execute0_lowered;
	[smem:$0x3FD2] =	sst s26  }
0x2d: {  	s6 =	sshll.u32 s27, $0x1;
	_ =	strace $0x8000004F;
	[dreg:$0x1] =	wrdreg $0xFFFFFFFF  }
0x2e: {  	s28 =	simm.s32 $_size_execute0_lowered;
	s4 =	sadd.s32 s4, s6;
	[dreg:$0x0] =	wrdreg $0x0  }
0x2f: {  	s6 =	sshll.u32 s28, $0x1;
	[dreg:$0x2] =	wrdreg s4  }
0x30: {  	[dreg:$0x3] =	wrdreg s6  }
0x31: {  	[dreg:$0x4] =	wrdreg $0xC0  }
0x32: {  	_ =	task [dreg:s23], $0x5FFFF  }
0x33: {  	[dreg:$0x1] =	wrdreg $0xFFFFFFFF  }
0x34: {  	[dreg:$0x0] =	wrdreg $0x60  }
0x35: {  	[dreg:$0x2] =	wrdreg s19  }
0x36: {  	[dreg:$0x3] =	wrdreg s25  }
0x37: {  	[dreg:$0x4] =	wrdreg $0xA  }
0x38: {  	_ =	task.clear_ibuf [dreg:s23], $0x5FFFF;
	_ =	strace $0x9000004F  }
0x39: {  	s29 =	simm.s32 $0xA;
	_ =	strace $0x80000051  }
0x3a: {  	_ =	swait.ge [sflag:s29], $0x1  }
0x3b: {  	[sflag:s29] =	ssyncadd.s32 $0xFFFFFFFF  }
0x3c: {  	_ =	strace $0x90000051  }
0x3d: {  	_ =	sfence  }
0x3e: {  	s30 =	sld [smem:$0x0];
	_ =	sdelay $0x2  }
0x3f: {  	s31 =	sshll.u32 s1, $0xD;
	s1 =	sshrl.u32 s1, $0x2  }
0x40: {  	s4 =	sand.u32 $0x4000, s31;
	s1 =	sadd.s32 s1, s30  }
0x41: {  	s0 =	sor.u32 s4, s0;
	s1 =	sshll.u32 s1, $0x11  }
0x42: {  	s0 =	sor.u32 s1, s0  }
0x43: {  	s0 =	sadd.s32 $0x8F2B, s0  }
0x44: {  	[sflag:s0] =	ssyncadd.remote.s32 $0x1  }
0x45: {  	_ =	sfence.sel $0xFFFF  }
0x46: {  	[dreg:$0x0] =	wrdreg $0xFFFFFFFF;
	(pc) =	sbr.abs _section_cstart, $3  }
0x47: {  	[dreg:$0x1] =	wrdreg $0xFFFFFFFF  }
0x48: {  	_ =	task.clear_ibuf [dreg:s23], $0x2FFFF;
	_ =	strace $0x9FFFFFFF  }
0x49: {  	(tm) =	ssettm $0x7FFFFFFF  }
tec
execute0_lowered:
.L_overlay_start_1:
0x0: {  	(tag) =	ssettag $0x1  }
0x1: {  	s2 =	rddreg [dreg:$0x0]  }
0x2: {  	s1 =	rddreg [dreg:$0x1]  }
0x3: {  	s0 =	rddreg [dreg:$0x2]  }
0x4: {  	s4 =	srdreg.scid;
	_ =	strace $0x80000050;
	s6 =	simm.s32 $0x2  }
0x5: {  	s18 =	simm.s32 $0x0;
	p0 =	por $0x0, $0x0;
	s16 =	simm.s32 $0x0  }
0x6: {  	s17 =	simm.s32 $0x0;
	s19 =	simm.s32 $0x0;
	s7 =	simm.s32 $0x0  }
0x7: {  	s8 =	simm.s32 $0x0;
	s10 =	simm.s32 $0x0;
	s11 =	simm.s32 $0x0  }
.Ltmp0:
0x8: {  	s12 =	simm.s32 $0x0;
	s13 =	simm.s32 $0x0;
	(pc) =	sbr.rel .LBB1_1-.Ltmp0, $4  }
0x9: {  	s14 =	simm.s32 $0x0;
	s3 =	sadd.s32 $0xF40E00, s1;
	s4 =	sshll.u32 s4, $0x4  }
0xa: {  	s1 =	stileid.u32;
	s5 =	sand.u32 $0x10, s4;
	s4 =	simm.s32 $0x1  }
0xb: {  	s9 =	simm.s32 $0x0;
	s5 =	sor.u32 s1, s5;
	[sflag:s4] =	ssyncpa.u1 $0x0  }
0xc: {  	[sflag:s6] =	ssyncpa.u1 $0x0;
	s6 =	simm.s32 $0x800;
	s15 =	smov.u32 s5  }
.LBB1_5:
0xd: {  	p1 =	slt.u32 s9, $0x2;
	s20 =	smov.u32 s19  }
0xe: {  	s23 =	smov.u32 s15;
	s9 =	sadd.s32 $0x1, s9;
	p0 =	por !p0, !p0  }
0xf: {  	p2 =	sgt.s32 @!p1 s19, $0x3F;
	s21 =	sshra.s32 @!p1 s19, $0x1F;
	p4 =	sgt.s32 @!p1 s17, $0xF  }
0x10: {  	p2 =	por !p2, p1;
	s19 =	sand.u32 @!p1 s21, s19;
	s21 =	sshra.s32 @!p1 s18, $0x1F  }
0x11: {  	p4 =	por !p4, p1;
	s20 =	simm.s32 @p2 $0x3F;
	p2 =	sgt.s32 @!p1 s18, $0xC5  }
0x12: {  	s19 =	ssub.s32 @!p1 s20, s19;
	p2 =	por !p2, p1;
	s20 =	smov.u32 s18  }
0x13: {  	s18 =	sand.u32 @!p1 s21, s18;
	s21 =	sadd.s32 @!p1 $0xFFFFFFC1, s19;
	s20 =	simm.s32 @p2 $0xC5  }
0x14: {  	s19 =	ssub.s32 @!p1 $0x40, s19;
	p2 =	sgt.s32 @!p1 s21, $0x0;
	s18 =	ssub.s32 @!p1 s20, s18  }
0x15: {  	s21 =	sshra.s32 @!p1 s17, $0x1F;
	p3 =	por !p2, p1;
	s20 =	sadd.s32 @!p1 $0xFFFFFF3B, s18  }
0x16: {  	p2 =	sgt.s32 @!p1 s20, $0x7F;
	s20 =	smov.u32 s17;
	s17 =	sand.u32 @!p1 s21, s17  }
0x17: {  	s21 =	sshra.s32 @!p1 s16, $0x1F;
	s20 =	simm.s32 @p4 $0xF;
	p4 =	sgt.s32 @!p1 s16, $0x40  }
0x18: {  	s17 =	ssub.s32 @!p1 s20, s17;
	p4 =	por !p4, p1;
	s20 =	smov.u32 s16  }
0x19: {  	s16 =	sand.u32 @!p1 s21, s16;
	s21 =	sadd.s32 @!p1 $0xFFFFFFF1, s17;
	s20 =	simm.s32 @p4 $0x40  }
0x1a: {  	s19 =	simm.s32 @!p3 $0x0;
	p3 =	sgt.s32 @!p1 s21, $0x0;
	s16 =	ssub.s32 @!p1 s20, s16  }
0x1b: {  	s17 =	ssub.s32 @!p1 $0x10, s17;
	p3 =	por !p3, p1;
	s20 =	sadd.s32 @!p1 $0xFFFFFFC0, s16  }
0x1c: {  	s21 =	smov.u32 s13;
	s17 =	simm.s32 @!p3 $0x0;
	p3 =	sgt.s32 @!p1 s20, $0x3F  }
0x1d: {  	s16 =	ssub.s32 @!p1 $0x80, s16;
	s20 =	sadd.s32 $0x80, s12;
	p3 =	por !p3, p1  }
0x1e: {  	s17 =	smul.u32 @!p1 s19, s17;
	p4 =	sgt.s32 s20, $0x144;
	s19 =	sadd.s32 $0x40, s13  }
0x1f: {  	s24 =	simm.s32 @!p1 $0x2;
	s16 =	simm.s32 @!p3 $0x0;
	s21 =	smov.u32 @p4 s19  }
0x20: {  	s16 =	smul.u32 @!p1 s16, s17;
	p3 =	sgt.s32 s21, $0x3F;
	s17 =	simm.s32 $0x1  }
0x21: {  	s18 =	ssub.s32 @!p1 $0x145, s18;
	p2 =	por !p2, p1;
	s17 =	simm.s32 @!p3 $0x0  }
0x22: {  	s18 =	simm.s32 @!p2 $0x0;
	s20 =	simm.s32 @p4 $0x0;
	s22 =	sadd.s32 s17, s14  }
0x23: {  	s19 =	smov.u32 s11;
	s17 =	sadd.s32 $0x20, s15;
	p2 =	sgt.s32 s22, $0xB  }
0x24: {  	s11 =	smov.u32 s15;
	s21 =	simm.s32 @p3 $0x0;
	s23 =	smov.u32 @p2 s17  }
0x25: {  	s16 =	smul.u32 @!p1 s18, s16;
	s22 =	simm.s32 @p2 $0x0;
	p2 =	sgt.s32 s23, $0x3F  }
0x26: {  	s18 =	smov.u32 s7;
	s23 =	smov.u32 @p2 s5;
	p2 =	sne.s32 s9, $0x4A  }
.Ltmp1:
0x27: {  	s7 =	smov.u32 s12;
	s12 =	smov.u32 s20;
	(pc) =	sbr.rel @!p2 .LBB1_6-.Ltmp1, $4  }
0x28: {  	s16 =	sand.u32 @!p1 $0x3FFFFFFF, s16;
	s17 =	smov.u32 s10;
	s10 =	smov.u32 s14  }
0x29: {  	_ =	swait.ge @!p1 [sflag:s24], s16;
	s25 =	ssub.s32 @!p1 $0x0, s16;
	s16 =	smov.u32 s8  }
0x2a: {  	s8 =	smov.u32 s13;
	s13 =	smov.u32 s21;
	[sflag:s24] =	ssyncset.done @!p1 $0x0  }
0x2b: {  	s14 =	smov.u32 s22;
	[sflag:s24] =	ssyncadd.s32 @!p1 s25;
	s15 =	smov.u32 s23  }
.LBB1_1:
0x2c: {  	p1 =	sgt.u32 s9, $0x47  }
0x2d: {  	s20 =	sshrl.u32 @!p1 s13, $0x3  }
0x2e: {  	s21 =	sshll.u32 @!p1 s12, $0x3;
	s20 =	smul.u32 @!p1 $0xC00, s20  }
0x2f: {  	s22 =	sshll.u32 @!p1 s13, $0x7;
	s21 =	sand.u32 @!p1 $0xFFFFFC00, s21  }
0x30: {  	s20 =	sadd.s32 @!p1 s20, s21;
	s21 =	sand.u32 @!p1 $0x380, s22  }
0x31: {  	s22 =	sand.u32 @!p1 $0x7F, s12;
	s20 =	sor.u32 @!p1 s21, s20  }
0x32: {  	s21 =	sor.u32 @!p1 s22, s20  }
0x33: {  	s22 =	smulhi.u32 @!p1 $0xAAAAAAAB, s21  }
0x34: {  	s20 =	smulhi.u32 @!p1 $0xAAAAAAAB, s20  }
0x35: {  	s24 =	smul.u32 @!p1 $0x9000, s15;
	s22 =	sshrl.u32 @!p1 s22, $0x8  }
0x36: {  	s23 =	sxor.u32 @!p1 $0xFFFFFFFF, s9;
	s20 =	sshrl.u32 @!p1 s20, $0x8;
	s22 =	smul.u32 @!p1 $0x180, s22  }
0x37: {  	s25 =	smul.u32 @!p1 $0xC00, s14;
	s23 =	sshll.u32 @!p1 s23, $0xD;
	s20 =	sand.u32 @!p1 $0x3F, s20  }
0x38: {  	s20 =	smul.u32 @!p1 $0x30, s20;
	s21 =	ssub.s32 @!p1 s21, s22;
	s22 =	sadd.s32 @!p1 s2, s24  }
0x39: {  	s23 =	sand.u32 @!p1 $0x2000, s23;
	s22 =	sadd.s32 @!p1 s25, s22;
	s24 =	sand.u32 @!p1 $0x7, s21  }
0x3a: {  	s21 =	sshrl.u32 @!p1 s21, $0x3;
	s20 =	sadd.s32 @!p1 s20, s22;
	s22 =	sshll.u32 @!p1 s24, $0x12  }
0x3b: {  	s20 =	sadd.s32 @!p1 s21, s20;
	s21 =	sor.u32 @!p1 $0x400, s22;
	s22 =	simm.s32 @!p1 $0xC00  }
0x3c: {  	[tilespmem:s23], [sflag:$0x1] =	stream.strided.gather @!p1 [hbm4b:s20+s21], $0x2000, s22, s21, $0x38;
	[tilespmem:$0x8100] =	vst v63  }
0x3d: {  	p1 =	seq.s32 s9, $0x0  }
0x3e: {  	p2 =	seq.s32 @!p1 s9, $0x49  }
0x3f: {  	p1 =	por p1, p2  }
.Ltmp2:
0x40: {  	_ = 	snop;
	(pc) =	sbr.rel @p1 .LBB1_5-.Ltmp2, $1  }
0x41: {  	_ =	sdelay $0x3  }
0x42: {  	s20 =	simm.s32 $0x1  }
0x43: {  	_ =	swait.ge [sflag:s4], $0x2000;
	s20 =	simm.s32 @!p0 $0x0  }
0x44: {  	[sflag:s4] =	ssyncset.done $0x0;
	s21 =	sshll.u32 s20, $0xD  }
0x45: {  	[sflag:s4] =	ssyncadd.s32 $0xFFFFE000;
	s21 =	sor.u32 $0x40, s21  }
0x46: {  	s20 =	smul.u32 $0x8200, s20;
	v0 =	vld [tilespmem:s21+$0x30]  }
0x47: {  	v1 =	vld [tilespmem:s21+$0xFFFFFFD0]  }
0x48: {  	s20 =	sshrl.u32 s20, $0x2;
	v5 =	vld [tilespmem:s21+$0xFFFFFFE0]  }
0x49: {  	v6 =	vld [tilespmem:s21+$0xFFFFFFF0];
	s23 =	sor.u32 $0x4000, s20  }
0x4a: {  	s31 =	sand.u32 $0x1, s9;
	v4 =	vld [tilespmem:s21+$0x0];
	s22 =	sadd.s32 $0x0, s23  }
0x4b: {  	v3 =	vld [tilespmem:s21+$0x10];
	s20 =	smul.u32 $0x8200, s31;
	[tilespmem:s22+$0x1C70 ss:$0x41] =	vst.msk $0xffff, v0  }
0x4c: {  	v2 =	vld [tilespmem:s21+$0x20];
	[tilespmem:s22+$0x410 ss:$0x41] =	vst.msk $0xffff, v1  }
0x4d: {  	s20 =	sshrl.u32 s20, $0x2;
	v1 =	vld [tilespmem:s21+$0xFFFFFFC0];
	[tilespmem:s22+$0x820 ss:$0x41] =	vst.msk $0xffff, v5;
	s21 =	sadd.s32 $0x80, s21  }
0x4e: {  	s24 =	simm.s32 $0x4;
	s25 =	simm.s32 $0x8;
	s20 =	sor.u32 $0x4000, s20;
	[tilespmem:s22+$0xC30 ss:$0x41] =	vst.msk $0xffff, v6;
	v0 =	vld [tilespmem:s21+$0x30]  }
.LBB1_3:
0x4f: {  	p1 =	sne.s32 s25, $0xFC;
	v5 =	vld [tilespmem:s21+$0xFFFFFFD0];
	[tilespmem:s22+$0x1040 ss:$0x41] =	vst.msk $0xffff, v4  }
0x50: {  	v6 =	vld [tilespmem:s21+$0xFFFFFFE0];
	[tilespmem:s22+$0x1450 ss:$0x41] =	vst.msk $0xffff, v3  }
0x51: {  	s26 =	sshra.s32 s24, $0x2;
	s24 =	smov.u32 s25;
	v7 =	vld [tilespmem:s21+$0xFFFFFFF0];
	[tilespmem:s22+$0x1860 ss:$0x41] =	vst.msk $0xffff, v2  }
.Ltmp3:
0x52: {  	v4 =	vld [tilespmem:s21+$0x0];
	[tilespmem:s22+$0x0 ss:$0x41] =	vst.msk $0xffff, v1;
	s22 =	sadd.s32 s26, s23;
	(pc) =	sbr.rel @p1 .LBB1_3-.Ltmp3, $4  }
0x53: {  	v3 =	vld [tilespmem:s21+$0x10];
	[tilespmem:s22+$0x1C70 ss:$0x41] =	vst.msk $0xffff, v0  }
0x54: {  	[tilespmem:s22+$0x410 ss:$0x41] =	vst.msk $0xffff, v5;
	v2 =	vld [tilespmem:s21+$0x20]  }
0x55: {  	v1 =	vld [tilespmem:s21+$0xFFFFFFC0];
	[tilespmem:s22+$0x820 ss:$0x41] =	vst.msk $0xffff, v6;
	s21 =	sadd.s32 $0x80, s21  }
0x56: {  	s25 =	sadd.s32 $0x4, s25;
	v0 =	vld [tilespmem:s21+$0x30];
	[tilespmem:s22+$0xC30 ss:$0x41] =	vst.msk $0xffff, v7  }
0x57: {  	p1 =	sgt.s32 s11, $0x3F  }
0x58: {  	s25 =	smov.u32 s11;
	s26 =	sshra.s32 s11, $0x1F;
	s24 =	sshra.s32 s24, $0x2  }
0x59: {  	p2 =	sgt.s32 s7, $0xC5;
	s27 =	sshra.s32 s7, $0x1F;
	s28 =	smov.u32 s10  }
0x5a: {  	s30 =	sshra.s32 s10, $0x1F;
	s25 =	simm.s32 @!p1 $0x3F;
	s26 =	sand.u32 s26, s11  }
0x5b: {  	s29 =	smov.u32 s8;
	s23 =	sadd.s32 s24, s23;
	s25 =	ssub.s32 s25, s26  }
0x5c: {  	s24 =	sshll.u32 s10, $0x7;
	s27 =	sand.u32 s27, s7;
	s26 =	sadd.s32 $0xFFFFFFC1, s25  }
0x5d: {  	s25 =	ssub.s32 $0x40, s25;
	p1 =	sgt.s32 s26, $0x0;
	s26 =	smov.u32 s7  }
0x5e: {  	s26 =	simm.s32 @!p2 $0xC5;
	p2 =	sgt.s32 s10, $0xF;
	s25 =	simm.s32 @p1 $0x0  }
0x5f: {  	s26 =	ssub.s32 s26, s27;
	s28 =	simm.s32 @!p2 $0xF;
	s27 =	sand.u32 s30, s10  }
0x60: {  	p2 =	sgt.s32 s8, $0x40;
	s30 =	sshra.s32 s8, $0x1F;
	s27 =	ssub.s32 s28, s27  }
0x61: {  	s29 =	simm.s32 @!p2 $0x40;
	s31 =	sand.u32 s30, s8;
	s30 =	sshll.u32 s8, $0x3  }
0x62: {  	v5 =	vld [tilespmem:s21+$0xFFFFFFD0];
	[tilespmem:s22+$0x1040 ss:$0x41] =	vst.msk $0xffff, v4;
	s28 =	ssub.s32 s29, s31;
	s31 =	sadd.s32 $0xFFFFFFF1, s27;
	s27 =	ssub.s32 $0x10, s27  }
0x63: {  	v58 =	vld [tilespmem:s21+$0xFFFFFFE0];
	[tilespmem:s22+$0x1450 ss:$0x41] =	vst.msk $0xffff, v3;
	s30 =	sand.u32 $0x400, s30;
	p2 =	sgt.s32 s31, $0x0;
	s31 =	sadd.s32 $0xFFFFFFC0, s28  }
0x64: {  	v59 =	vld [tilespmem:s21+$0xFFFFFFF0];
	[tilespmem:s22+$0x1860 ss:$0x41] =	vst.msk $0xffff, v2;
	s29 =	sshrl.u32 s8, $0x3;
	p1 =	sgt.s32 s31, $0x3F;
	s27 =	simm.s32 @p2 $0x0  }
0x65: {  	v60 =	vld [tilespmem:s21+$0x0];
	[tilespmem:s22+$0x0 ss:$0x41] =	vst.msk $0xffff, v1;
	s31 =	sand.u32 $0x400, s24;
	s22 =	smul.u32 s25, s27;
	s27 =	ssub.s32 $0x80, s28  }
0x66: {  	v61 =	vld [tilespmem:s21+$0x10];
	[tilespmem:s23+$0x1C70 ss:$0x41] =	vst.msk $0xffff, v0;
	s24 =	sand.u32 $0x380, s24;
	s25 =	sadd.s32 $0xFFFFFF3B, s26;
	s27 =	simm.s32 @p1 $0x0  }
0x67: {  	v62 =	vld [tilespmem:s21+$0x20];
	[tilespmem:s23+$0x410 ss:$0x41] =	vst.msk $0xffff, v5;
	s31 =	sadd.s32 s31, s30;
	s28 =	sshll.u32 s7, $0x8;
	s22 =	smul.u32 s27, s22  }
0x68: {  	v63 =	vld [tilespmem:s21+$0xFFFFFFC0];
	[tilespmem:s23+$0x820 ss:$0x41] =	vst.msk $0xffff, v58;
	p2 =	sgt.s32 s25, $0x7F;
	s25 =	ssub.s32 $0x145, s26;
	s27 =	smul.u32 $0x14500, s11  }
0x69: {  	[tilespmem:s23+$0xC30 ss:$0x41] =	vst.msk $0xffff, v59;
	s30 =	sand.u32 $0x7, s8;
	s26 =	sor.u32 s24, s31;
	s25 =	simm.s32 @p2 $0x0  }
.Ltmp4:
0x6a: {  	[tilespmem:s23+$0x1040 ss:$0x41] =	vst.msk $0xffff, v60;
	s21 =	sshrl.u32 s26, $0x3;
	s24 =	sadd.s32 s3, s27;
	(pc) =	sbr.rel .LBB1_5-.Ltmp4, $4  }
0x6b: {  	[tilespmem:s23+$0x1450 ss:$0x41] =	vst.msk $0xffff, v61;
	s26 =	sand.u32 $0xF, s29;
	s22 =	smul.u32 s25, s22;
	s24 =	sadd.s32 s28, s24  }
0x6c: {  	[tilespmem:s23+$0x1860 ss:$0x41] =	vst.msk $0xffff, v62;
	s21 =	sand.u32 $0xF0, s21;
	s25 =	sshll.u32 s30, $0x12;
	s24 =	sadd.s32 s26, s24  }
0x6d: {  	[tilespmem:s23+$0x0 ss:$0x41] =	vst.msk $0xffff, v63;
	s31 =	sor.u32 $0x40, s25;
	s22 =	sand.u32 $0x3FFFFFFF, s22;
	s21 =	sadd.s32 s21, s24  }
0x6e: {  	[hbm4b:s21+s31] =	stream.strided.scatter [tilespmem:s20], [sflag:$0x2], s22, s6, s31, $0x18;
	[tilespmem:$0x8100] =	vst v63  }
.LBB1_6:
0x6f: {  	_ =	sfence.sel $0x180000  }
0x70: {  	s2 =	simm.s32 $0x1;
	[bflag:$0x0] =	sbarrier.arrive $0xFFFF  }
0x71: {  	s31 =	simm.s32 $0x2;
	[sflag:s2] =	ssyncpa.u1 $0x1  }
0x72: {  	[sflag:s31] =	ssyncpa.u1 $0x1  }
0x73: {  	p0 =	sne.s32 s1, $0x0;
	_ =	strace $0x90000050  }
0x74: {  	s0 =	sadd.s32 @!p0 $0x100000, s0;
	[bflag:$0x2] =	sbarrier.arrive $0xFFFF  }
0x75: {  	[sflag:s0] =	ssyncadd.tile.s32 @!p0 $0x1;
	_ =	shalt  }
.Lfunc_end1:
_tile_overlayer_lowered:
.L_overlay_start_2:
0x76: {  	(tag) =	ssettag $0x2  }
0x77: {  	s0 =	rddreg [dreg:$0x0];
	s2 =	stileid.u32  }
0x78: {  	s1 =	rddreg [dreg:$0x1];
	p0 =	sne.s32 s2, $0x0  }
0x79: {  	s3 =	rddreg [dreg:$0x2];
	[bflag:$0x3] =	sbarrier.arrive $0xFFFF;
	s2 =	simm.s32 @!p0 $0x1C01  }
0x7a: {  	[timem:s3], [sflag:s2] =	dma.local @!p0 [hbm:s0], s1  }
0x7b: {  	s0 =	simm.s32 @!p0 $0x1  }
0x7c: {  	_ =	swait.ge @!p0 [sflag:s0], s1  }
0x7d: {  	s1 =	ssub.s32 @!p0 $0x0, s1;
	[sflag:s0] =	ssyncset.done @!p0 $0x0  }
0x7e: {  	[sflag:s0] =	ssyncadd.s32 @!p0 s1  }
0x7f: {  	[bflag:$0x3] =	sbarrier.arrive $0xFFFF  }
0x80: {  	_ =	shalt  }

// kernel: sparse-core-data-format-call.2.cloned.1.call-start
scs
called_computation.2_lowered:
.L_overlay_start_0:
0x0: {  	s2 =	sld [smem:$0x3FD9]  }
0x1: {  	s3 =	sld [smem:$0x3FFE];
	_ =	sdelay $0x1  }
0x2: {  	s1 =	srdreg.scid  }
0x3: {  	s0 =	sand.u32 $0x1, s1  }
0x4: {  	s18 =	sshll.u32 s0, $0xA;
	s2 =	sadd.s32 s3, s2  }
0x5: {  	s2 =	sadd.s32 s2, s18  }
0x6: {  	[smem:$0x3FB5] =	sst s2  }
0x7: {  	_ = 	snop  }
0x8: {  	s19 =	sld [smem:$0x3FC7];
	(tm) =	ssettm $0x1  }
0x9: {  	s20 =	sld [smem:$0x3FFB];
	_ =	sdelay $0x3  }
0xa: {  	_ =	strace s20  }
0xb: {  	s2 =	sld [smem:$0x3FFC];
	_ =	sdelay $0x3  }
0xc: {  	_ =	strace s2  }
0xd: {  	s2 =	sld [smem:$0x3FFD];
	_ =	sdelay $0x3  }
0xe: {  	_ =	strace s2  }
0xf: {  	_ =	strace $0x8FFFFFFF  }
0x10: {  	s21 =	sld [smem:$0x3FDB];
	_ =	sdelay $0x1  }
0x11: {  	s4 =	simm.s32 $_scs_section_size  }
0x12: {  	s5 =	simm.s32 $_size__tile_overlayer_lowered;
	s6 =	simm.s32 $_tile_overlayer_lowered  }
0x13: {  	s7 =	simm.s32 $0x1BFF;
	s22 =	sshll.u32 s6, $0x1;
	s4 =	sadd.s32 s4, s21  }
0x14: {  	s23 =	simm.s32 $0x0;
	s5 =	sshll.u32 s5, $0x1;
	s6 =	sadd.s32 s22, s4  }
0x15: {  	[timem:s23], [sflag:s7] =	dma.local [hbm:s6], s5  }
0x16: {  	_ =	swait.ge [sflag:s7], s5  }
0x17: {  	s5 =	ssub.s32 $0x0, s5;
	[sflag:s7] =	ssyncset.done $0x0  }
0x18: {  	[sflag:s7] =	ssyncadd.s32 s5;
	_ =	sdelay $0x1  }
0x19: {  	s24 =	simm.s32 $0x1B8B  }
0x1a: {  	_ =	swait.ge [sflag:s24], $0x1  }
0x1b: {  	[sflag:s24] =	ssyncset.done $0x0  }
0x1c: {  	[sflag:s24] =	ssyncadd.s32 $0xFFFFFFFF  }
0x1d: {  	s5 =	sld [smem:$0x0]  }
0x1e: {  	s6 =	sand.u32 $0xFFFFFFFE, s1  }
0x1f: {  	p0 =	sne.s32 s1, s6  }
0x20: {  	s6 =	sshll.u32 @p0 s6, $0xE  }
0x21: {  	s6 =	sadd.s32 @p0 $0x11B8D, s6;
	s7 =	sshll.u32 @p0 s5, $0x11  }
0x22: {  	s6 =	sor.u32 @p0 s7, s6  }
0x23: {  	[sflag:s6] =	ssyncadd.remote.s32 @p0 $0x1;
	_ =	sdelay $0x1  }
0x24: {  	s6 =	simm.s32 @p0 $0x1B8D  }
0x25: {  	_ =	swait.eq @p0 [sflag:s6], $0x1  }
0x26: {  	[sflag:s6] =	ssyncadd.s32 @p0 $0xFFFFFFFF  }
0x27: {  	s7 =	sshll.u32 @!p0 s1, $0xE  }
0x28: {  	s7 =	sor.u32 @!p0 $0x4000, s7;
	s6 =	simm.s32 @!p0 $0x1B8D  }
0x29: {  	s5 =	sshll.u32 @!p0 s5, $0x11;
	s7 =	sadd.s32 @!p0 $0x11B8D, s7;
	_ =	swait.eq @!p0 [sflag:s6], $0x1  }
0x2a: {  	s5 =	sor.u32 @!p0 s5, s7;
	[sflag:s6] =	ssyncadd.s32 @!p0 $0xFFFFFFFF  }
0x2b: {  	s26 =	simm.s32 $0x1B8E;
	s25 =	sld [smem:$0x3FFE];
	[sflag:s5] =	ssyncadd.remote.s32 @!p0 $0x1  }
0x2c: {  	s27 =	simm.s32 $execute0_lowered;
	[smem:$0x3FD2] =	sst s26  }
0x2d: {  	s6 =	sshll.u32 s27, $0x1;
	_ =	strace $0x8000004C;
	[dreg:$0x1] =	wrdreg $0xFFFFFFFF  }
0x2e: {  	s28 =	simm.s32 $_size_execute0_lowered;
	s4 =	sadd.s32 s4, s6;
	[dreg:$0x0] =	wrdreg $0x0  }
0x2f: {  	s6 =	sshll.u32 s28, $0x1;
	[dreg:$0x2] =	wrdreg s4  }
0x30: {  	[dreg:$0x3] =	wrdreg s6  }
0x31: {  	[dreg:$0x4] =	wrdreg $0xC0  }
0x32: {  	_ =	task [dreg:s23], $0x5FFFF  }
0x33: {  	[dreg:$0x1] =	wrdreg $0xFFFFFFFF  }
0x34: {  	[dreg:$0x0] =	wrdreg $0x60  }
0x35: {  	[dreg:$0x2] =	wrdreg s19  }
0x36: {  	[dreg:$0x3] =	wrdreg s25  }
0x37: {  	[dreg:$0x4] =	wrdreg $0xB  }
0x38: {  	_ =	task.clear_ibuf [dreg:s23], $0x5FFFF;
	_ =	strace $0x9000004C  }
0x39: {  	s29 =	simm.s32 $0xB;
	_ =	strace $0x8000004E  }
0x3a: {  	_ =	swait.ge [sflag:s29], $0x1  }
0x3b: {  	[sflag:s29] =	ssyncadd.s32 $0xFFFFFFFF  }
0x3c: {  	_ =	strace $0x9000004E  }
0x3d: {  	_ =	sfence  }
0x3e: {  	s30 =	sld [smem:$0x0];
	_ =	sdelay $0x2  }
0x3f: {  	s31 =	sshll.u32 s1, $0xD;
	s1 =	sshrl.u32 s1, $0x2  }
0x40: {  	s4 =	sand.u32 $0x4000, s31;
	s1 =	sadd.s32 s1, s30  }
0x41: {  	s0 =	sor.u32 s4, s0;
	s1 =	sshll.u32 s1, $0x11  }
0x42: {  	s0 =	sor.u32 s1, s0  }
0x43: {  	s0 =	sadd.s32 $0x8F2B, s0  }
0x44: {  	[sflag:s0] =	ssyncadd.remote.s32 $0x1  }
0x45: {  	_ =	sfence.sel $0xFFFF  }
0x46: {  	[dreg:$0x0] =	wrdreg $0xFFFFFFFF;
	(pc) =	sbr.abs _section_cstart, $3  }
0x47: {  	[dreg:$0x1] =	wrdreg $0xFFFFFFFF  }
0x48: {  	_ =	task.clear_ibuf [dreg:s23], $0x2FFFF;
	_ =	strace $0x9FFFFFFF  }
0x49: {  	(tm) =	ssettm $0x7FFFFFFF  }
tec
execute0_lowered:
.L_overlay_start_1:
0x0: {  	(tag) =	ssettag $0x1  }
0x1: {  	s2 =	rddreg [dreg:$0x0]  }
0x2: {  	s1 =	rddreg [dreg:$0x1]  }
0x3: {  	s0 =	rddreg [dreg:$0x2]  }
0x4: {  	s4 =	srdreg.scid;
	_ =	strace $0x8000004D;
	s6 =	simm.s32 $0x2  }
0x5: {  	s18 =	simm.s32 $0x0;
	p0 =	por $0x0, $0x0;
	s16 =	simm.s32 $0x0  }
0x6: {  	s17 =	simm.s32 $0x0;
	s19 =	simm.s32 $0x0;
	s7 =	simm.s32 $0x0  }
0x7: {  	s8 =	simm.s32 $0x0;
	s10 =	simm.s32 $0x0;
	s11 =	simm.s32 $0x0  }
.Ltmp0:
0x8: {  	s12 =	simm.s32 $0x0;
	s13 =	simm.s32 $0x0;
	(pc) =	sbr.rel .LBB1_1-.Ltmp0, $4  }
0x9: {  	s14 =	simm.s32 $0x0;
	s3 =	sadd.s32 $0xA2CE00, s1;
	s4 =	sshll.u32 s4, $0x4  }
0xa: {  	s1 =	stileid.u32;
	s5 =	sand.u32 $0x10, s4;
	s4 =	simm.s32 $0x1  }
0xb: {  	s9 =	simm.s32 $0x0;
	s5 =	sor.u32 s1, s5;
	[sflag:s4] =	ssyncpa.u1 $0x0  }
0xc: {  	[sflag:s6] =	ssyncpa.u1 $0x0;
	s6 =	simm.s32 $0x800;
	s15 =	smov.u32 s5  }
.LBB1_5:
0xd: {  	p1 =	slt.u32 s9, $0x2;
	s20 =	smov.u32 s19  }
0xe: {  	s23 =	smov.u32 s15;
	s9 =	sadd.s32 $0x1, s9;
	p0 =	por !p0, !p0  }
0xf: {  	p2 =	sgt.s32 @!p1 s19, $0x3F;
	s21 =	sshra.s32 @!p1 s19, $0x1F;
	p4 =	sgt.s32 @!p1 s17, $0xF  }
0x10: {  	p2 =	por !p2, p1;
	s19 =	sand.u32 @!p1 s21, s19;
	s21 =	sshra.s32 @!p1 s18, $0x1F  }
0x11: {  	p4 =	por !p4, p1;
	s20 =	simm.s32 @p2 $0x3F;
	p2 =	sgt.s32 @!p1 s18, $0xC5  }
0x12: {  	s19 =	ssub.s32 @!p1 s20, s19;
	p2 =	por !p2, p1;
	s20 =	smov.u32 s18  }
0x13: {  	s18 =	sand.u32 @!p1 s21, s18;
	s21 =	sadd.s32 @!p1 $0xFFFFFFC1, s19;
	s20 =	simm.s32 @p2 $0xC5  }
0x14: {  	s19 =	ssub.s32 @!p1 $0x40, s19;
	p2 =	sgt.s32 @!p1 s21, $0x0;
	s18 =	ssub.s32 @!p1 s20, s18  }
0x15: {  	s21 =	sshra.s32 @!p1 s17, $0x1F;
	p3 =	por !p2, p1;
	s20 =	sadd.s32 @!p1 $0xFFFFFF3B, s18  }
0x16: {  	p2 =	sgt.s32 @!p1 s20, $0x7F;
	s20 =	smov.u32 s17;
	s17 =	sand.u32 @!p1 s21, s17  }
0x17: {  	s21 =	sshra.s32 @!p1 s16, $0x1F;
	s20 =	simm.s32 @p4 $0xF;
	p4 =	sgt.s32 @!p1 s16, $0x40  }
0x18: {  	s17 =	ssub.s32 @!p1 s20, s17;
	p4 =	por !p4, p1;
	s20 =	smov.u32 s16  }
0x19: {  	s16 =	sand.u32 @!p1 s21, s16;
	s21 =	sadd.s32 @!p1 $0xFFFFFFF1, s17;
	s20 =	simm.s32 @p4 $0x40  }
0x1a: {  	s19 =	simm.s32 @!p3 $0x0;
	p3 =	sgt.s32 @!p1 s21, $0x0;
	s16 =	ssub.s32 @!p1 s20, s16  }
0x1b: {  	s17 =	ssub.s32 @!p1 $0x10, s17;
	p3 =	por !p3, p1;
	s20 =	sadd.s32 @!p1 $0xFFFFFFC0, s16  }
0x1c: {  	s21 =	smov.u32 s13;
	s17 =	simm.s32 @!p3 $0x0;
	p3 =	sgt.s32 @!p1 s20, $0x3F  }
0x1d: {  	s16 =	ssub.s32 @!p1 $0x80, s16;
	s20 =	sadd.s32 $0x80, s12;
	p3 =	por !p3, p1  }
0x1e: {  	s17 =	smul.u32 @!p1 s19, s17;
	p4 =	sgt.s32 s20, $0x144;
	s19 =	sadd.s32 $0x40, s13  }
0x1f: {  	s24 =	simm.s32 @!p1 $0x2;
	s16 =	simm.s32 @!p3 $0x0;
	s21 =	smov.u32 @p4 s19  }
0x20: {  	s16 =	smul.u32 @!p1 s16, s17;
	p3 =	sgt.s32 s21, $0x3F;
	s17 =	simm.s32 $0x1  }
0x21: {  	s18 =	ssub.s32 @!p1 $0x145, s18;
	p2 =	por !p2, p1;
	s17 =	simm.s32 @!p3 $0x0  }
0x22: {  	s18 =	simm.s32 @!p2 $0x0;
	s20 =	simm.s32 @p4 $0x0;
	s22 =	sadd.s32 s17, s14  }
0x23: {  	s19 =	smov.u32 s11;
	s17 =	sadd.s32 $0x20, s15;
	p2 =	sgt.s32 s22, $0xB  }
0x24: {  	s11 =	smov.u32 s15;
	s21 =	simm.s32 @p3 $0x0;
	s23 =	smov.u32 @p2 s17  }
0x25: {  	s16 =	smul.u32 @!p1 s18, s16;
	s22 =	simm.s32 @p2 $0x0;
	p2 =	sgt.s32 s23, $0x3F  }
0x26: {  	s18 =	smov.u32 s7;
	s23 =	smov.u32 @p2 s5;
	p2 =	sne.s32 s9, $0x4A  }
.Ltmp1:
0x27: {  	s7 =	smov.u32 s12;
	s12 =	smov.u32 s20;
	(pc) =	sbr.rel @!p2 .LBB1_6-.Ltmp1, $4  }
0x28: {  	s16 =	sand.u32 @!p1 $0x3FFFFFFF, s16;
	s17 =	smov.u32 s10;
	s10 =	smov.u32 s14  }
0x29: {  	_ =	swait.ge @!p1 [sflag:s24], s16;
	s25 =	ssub.s32 @!p1 $0x0, s16;
	s16 =	smov.u32 s8  }
0x2a: {  	s8 =	smov.u32 s13;
	s13 =	smov.u32 s21;
	[sflag:s24] =	ssyncset.done @!p1 $0x0  }
0x2b: {  	s14 =	smov.u32 s22;
	[sflag:s24] =	ssyncadd.s32 @!p1 s25;
	s15 =	smov.u32 s23  }
.LBB1_1:
0x2c: {  	p1 =	sgt.u32 s9, $0x47  }
0x2d: {  	s20 =	sshrl.u32 @!p1 s13, $0x3  }
0x2e: {  	s21 =	sshll.u32 @!p1 s12, $0x3;
	s20 =	smul.u32 @!p1 $0xC00, s20  }
0x2f: {  	s22 =	sshll.u32 @!p1 s13, $0x7;
	s21 =	sand.u32 @!p1 $0xFFFFFC00, s21  }
0x30: {  	s20 =	sadd.s32 @!p1 s20, s21;
	s21 =	sand.u32 @!p1 $0x380, s22  }
0x31: {  	s22 =	sand.u32 @!p1 $0x7F, s12;
	s20 =	sor.u32 @!p1 s21, s20  }
0x32: {  	s21 =	sor.u32 @!p1 s22, s20  }
0x33: {  	s22 =	smulhi.u32 @!p1 $0xAAAAAAAB, s21  }
0x34: {  	s20 =	smulhi.u32 @!p1 $0xAAAAAAAB, s20  }
0x35: {  	s24 =	smul.u32 @!p1 $0x9000, s15;
	s22 =	sshrl.u32 @!p1 s22, $0x8  }
0x36: {  	s23 =	sxor.u32 @!p1 $0xFFFFFFFF, s9;
	s20 =	sshrl.u32 @!p1 s20, $0x8;
	s22 =	smul.u32 @!p1 $0x180, s22  }
0x37: {  	s25 =	smul.u32 @!p1 $0xC00, s14;
	s23 =	sshll.u32 @!p1 s23, $0xD;
	s20 =	sand.u32 @!p1 $0x3F, s20  }
0x38: {  	s20 =	smul.u32 @!p1 $0x30, s20;
	s21 =	ssub.s32 @!p1 s21, s22;
	s22 =	sadd.s32 @!p1 s2, s24  }
0x39: {  	s23 =	sand.u32 @!p1 $0x2000, s23;
	s22 =	sadd.s32 @!p1 s25, s22;
	s24 =	sand.u32 @!p1 $0x7, s21  }
0x3a: {  	s21 =	sshrl.u32 @!p1 s21, $0x3;
	s20 =	sadd.s32 @!p1 s20, s22;
	s22 =	sshll.u32 @!p1 s24, $0x12  }
0x3b: {  	s20 =	sadd.s32 @!p1 s21, s20;
	s21 =	sor.u32 @!p1 $0x400, s22;
	s22 =	simm.s32 @!p1 $0xC00  }
0x3c: {  	[tilespmem:s23], [sflag:$0x1] =	stream.strided.gather @!p1 [hbm4b:s20+s21], $0x2000, s22, s21, $0x38;
	[tilespmem:$0x8100] =	vst v63  }
0x3d: {  	p1 =	seq.s32 s9, $0x0  }
0x3e: {  	p2 =	seq.s32 @!p1 s9, $0x49  }
0x3f: {  	p1 =	por p1, p2  }
.Ltmp2:
0x40: {  	_ = 	snop;
	(pc) =	sbr.rel @p1 .LBB1_5-.Ltmp2, $1  }
0x41: {  	_ =	sdelay $0x3  }
0x42: {  	s20 =	simm.s32 $0x1  }
0x43: {  	_ =	swait.ge [sflag:s4], $0x2000;
	s20 =	simm.s32 @!p0 $0x0  }
0x44: {  	[sflag:s4] =	ssyncset.done $0x0;
	s21 =	sshll.u32 s20, $0xD  }
0x45: {  	[sflag:s4] =	ssyncadd.s32 $0xFFFFE000;
	s21 =	sor.u32 $0x40, s21  }
0x46: {  	s20 =	smul.u32 $0x8200, s20;
	v0 =	vld [tilespmem:s21+$0x30]  }
0x47: {  	v1 =	vld [tilespmem:s21+$0xFFFFFFD0]  }
0x48: {  	s20 =	sshrl.u32 s20, $0x2;
	v5 =	vld [tilespmem:s21+$0xFFFFFFE0]  }
0x49: {  	v6 =	vld [tilespmem:s21+$0xFFFFFFF0];
	s23 =	sor.u32 $0x4000, s20  }
0x4a: {  	s31 =	sand.u32 $0x1, s9;
	v4 =	vld [tilespmem:s21+$0x0];
	s22 =	sadd.s32 $0x0, s23  }
0x4b: {  	v3 =	vld [tilespmem:s21+$0x10];
	s20 =	smul.u32 $0x8200, s31;
	[tilespmem:s22+$0x1C70 ss:$0x41] =	vst.msk $0xffff, v0  }
0x4c: {  	v2 =	vld [tilespmem:s21+$0x20];
	[tilespmem:s22+$0x410 ss:$0x41] =	vst.msk $0xffff, v1  }
0x4d: {  	s20 =	sshrl.u32 s20, $0x2;
	v1 =	vld [tilespmem:s21+$0xFFFFFFC0];
	[tilespmem:s22+$0x820 ss:$0x41] =	vst.msk $0xffff, v5;
	s21 =	sadd.s32 $0x80, s21  }
0x4e: {  	s24 =	simm.s32 $0x4;
	s25 =	simm.s32 $0x8;
	s20 =	sor.u32 $0x4000, s20;
	[tilespmem:s22+$0xC30 ss:$0x41] =	vst.msk $0xffff, v6;
	v0 =	vld [tilespmem:s21+$0x30]  }
.LBB1_3:
0x4f: {  	p1 =	sne.s32 s25, $0xFC;
	v5 =	vld [tilespmem:s21+$0xFFFFFFD0];
	[tilespmem:s22+$0x1040 ss:$0x41] =	vst.msk $0xffff, v4  }
0x50: {  	v6 =	vld [tilespmem:s21+$0xFFFFFFE0];
	[tilespmem:s22+$0x1450 ss:$0x41] =	vst.msk $0xffff, v3  }
0x51: {  	s26 =	sshra.s32 s24, $0x2;
	s24 =	smov.u32 s25;
	v7 =	vld [tilespmem:s21+$0xFFFFFFF0];
	[tilespmem:s22+$0x1860 ss:$0x41] =	vst.msk $0xffff, v2  }
.Ltmp3:
0x52: {  	v4 =	vld [tilespmem:s21+$0x0];
	[tilespmem:s22+$0x0 ss:$0x41] =	vst.msk $0xffff, v1;
	s22 =	sadd.s32 s26, s23;
	(pc) =	sbr.rel @p1 .LBB1_3-.Ltmp3, $4  }
0x53: {  	v3 =	vld [tilespmem:s21+$0x10];
	[tilespmem:s22+$0x1C70 ss:$0x41] =	vst.msk $0xffff, v0  }
0x54: {  	[tilespmem:s22+$0x410 ss:$0x41] =	vst.msk $0xffff, v5;
	v2 =	vld [tilespmem:s21+$0x20]  }
0x55: {  	v1 =	vld [tilespmem:s21+$0xFFFFFFC0];
	[tilespmem:s22+$0x820 ss:$0x41] =	vst.msk $0xffff, v6;
	s21 =	sadd.s32 $0x80, s21  }
0x56: {  	s25 =	sadd.s32 $0x4, s25;
	v0 =	vld [tilespmem:s21+$0x30];
	[tilespmem:s22+$0xC30 ss:$0x41] =	vst.msk $0xffff, v7  }
0x57: {  	p1 =	sgt.s32 s11, $0x3F  }
0x58: {  	s25 =	smov.u32 s11;
	s26 =	sshra.s32 s11, $0x1F;
	s24 =	sshra.s32 s24, $0x2  }
0x59: {  	p2 =	sgt.s32 s7, $0xC5;
	s27 =	sshra.s32 s7, $0x1F;
	s28 =	smov.u32 s10  }
0x5a: {  	s30 =	sshra.s32 s10, $0x1F;
	s25 =	simm.s32 @!p1 $0x3F;
	s26 =	sand.u32 s26, s11  }
0x5b: {  	s29 =	smov.u32 s8;
	s23 =	sadd.s32 s24, s23;
	s25 =	ssub.s32 s25, s26  }
0x5c: {  	s24 =	sshll.u32 s10, $0x7;
	s27 =	sand.u32 s27, s7;
	s26 =	sadd.s32 $0xFFFFFFC1, s25  }
0x5d: {  	s25 =	ssub.s32 $0x40, s25;
	p1 =	sgt.s32 s26, $0x0;
	s26 =	smov.u32 s7  }
0x5e: {  	s26 =	simm.s32 @!p2 $0xC5;
	p2 =	sgt.s32 s10, $0xF;
	s25 =	simm.s32 @p1 $0x0  }
0x5f: {  	s26 =	ssub.s32 s26, s27;
	s28 =	simm.s32 @!p2 $0xF;
	s27 =	sand.u32 s30, s10  }
0x60: {  	p2 =	sgt.s32 s8, $0x40;
	s30 =	sshra.s32 s8, $0x1F;
	s27 =	ssub.s32 s28, s27  }
0x61: {  	s29 =	simm.s32 @!p2 $0x40;
	s31 =	sand.u32 s30, s8;
	s30 =	sshll.u32 s8, $0x3  }
0x62: {  	v5 =	vld [tilespmem:s21+$0xFFFFFFD0];
	[tilespmem:s22+$0x1040 ss:$0x41] =	vst.msk $0xffff, v4;
	s28 =	ssub.s32 s29, s31;
	s31 =	sadd.s32 $0xFFFFFFF1, s27;
	s27 =	ssub.s32 $0x10, s27  }
0x63: {  	v58 =	vld [tilespmem:s21+$0xFFFFFFE0];
	[tilespmem:s22+$0x1450 ss:$0x41] =	vst.msk $0xffff, v3;
	s30 =	sand.u32 $0x400, s30;
	p2 =	sgt.s32 s31, $0x0;
	s31 =	sadd.s32 $0xFFFFFFC0, s28  }
0x64: {  	v59 =	vld [tilespmem:s21+$0xFFFFFFF0];
	[tilespmem:s22+$0x1860 ss:$0x41] =	vst.msk $0xffff, v2;
	s29 =	sshrl.u32 s8, $0x3;
	p1 =	sgt.s32 s31, $0x3F;
	s27 =	simm.s32 @p2 $0x0  }
0x65: {  	v60 =	vld [tilespmem:s21+$0x0];
	[tilespmem:s22+$0x0 ss:$0x41] =	vst.msk $0xffff, v1;
	s31 =	sand.u32 $0x400, s24;
	s22 =	smul.u32 s25, s27;
	s27 =	ssub.s32 $0x80, s28  }
0x66: {  	v61 =	vld [tilespmem:s21+$0x10];
	[tilespmem:s23+$0x1C70 ss:$0x41] =	vst.msk $0xffff, v0;
	s24 =	sand.u32 $0x380, s24;
	s25 =	sadd.s32 $0xFFFFFF3B, s26;
	s27 =	simm.s32 @p1 $0x0  }
0x67: {  	v62 =	vld [tilespmem:s21+$0x20];
	[tilespmem:s23+$0x410 ss:$0x41] =	vst.msk $0xffff, v5;
	s31 =	sadd.s32 s31, s30;
	s28 =	sshll.u32 s7, $0x8;
	s22 =	smul.u32 s27, s22  }
0x68: {  	v63 =	vld [tilespmem:s21+$0xFFFFFFC0];
	[tilespmem:s23+$0x820 ss:$0x41] =	vst.msk $0xffff, v58;
	p2 =	sgt.s32 s25, $0x7F;
	s25 =	ssub.s32 $0x145, s26;
	s27 =	smul.u32 $0x14500, s11  }
0x69: {  	[tilespmem:s23+$0xC30 ss:$0x41] =	vst.msk $0xffff, v59;
	s30 =	sand.u32 $0x7, s8;
	s26 =	sor.u32 s24, s31;
	s25 =	simm.s32 @p2 $0x0  }
.Ltmp4:
0x6a: {  	[tilespmem:s23+$0x1040 ss:$0x41] =	vst.msk $0xffff, v60;
	s21 =	sshrl.u32 s26, $0x3;
	s24 =	sadd.s32 s3, s27;
	(pc) =	sbr.rel .LBB1_5-.Ltmp4, $4  }
0x6b: {  	[tilespmem:s23+$0x1450 ss:$0x41] =	vst.msk $0xffff, v61;
	s26 =	sand.u32 $0xF, s29;
	s22 =	smul.u32 s25, s22;
	s24 =	sadd.s32 s28, s24  }
0x6c: {  	[tilespmem:s23+$0x1860 ss:$0x41] =	vst.msk $0xffff, v62;
	s21 =	sand.u32 $0xF0, s21;
	s25 =	sshll.u32 s30, $0x12;
	s24 =	sadd.s32 s26, s24  }
0x6d: {  	[tilespmem:s23+$0x0 ss:$0x41] =	vst.msk $0xffff, v63;
	s31 =	sor.u32 $0x40, s25;
	s22 =	sand.u32 $0x3FFFFFFF, s22;
	s21 =	sadd.s32 s21, s24  }
0x6e: {  	[hbm4b:s21+s31] =	stream.strided.scatter [tilespmem:s20], [sflag:$0x2], s22, s6, s31, $0x18;
	[tilespmem:$0x8100] =	vst v63  }
.LBB1_6:
0x6f: {  	_ =	sfence.sel $0x180000  }
0x70: {  	s2 =	simm.s32 $0x1;
	[bflag:$0x0] =	sbarrier.arrive $0xFFFF  }
0x71: {  	s31 =	simm.s32 $0x2;
	[sflag:s2] =	ssyncpa.u1 $0x1  }
0x72: {  	[sflag:s31] =	ssyncpa.u1 $0x1  }
0x73: {  	p0 =	sne.s32 s1, $0x0;
	_ =	strace $0x9000004D  }
0x74: {  	s0 =	sadd.s32 @!p0 $0x100000, s0;
	[bflag:$0x2] =	sbarrier.arrive $0xFFFF  }
0x75: {  	[sflag:s0] =	ssyncadd.tile.s32 @!p0 $0x1;
	_ =	shalt  }
.Lfunc_end1:
_tile_overlayer_lowered:
.L_overlay_start_2:
0x76: {  	(tag) =	ssettag $0x2  }
0x77: {  	s0 =	rddreg [dreg:$0x0];
	s2 =	stileid.u32  }
0x78: {  	s1 =	rddreg [dreg:$0x1];
	p0 =	sne.s32 s2, $0x0  }
0x79: {  	s3 =	rddreg [dreg:$0x2];
	[bflag:$0x3] =	sbarrier.arrive $0xFFFF;
	s2 =	simm.s32 @!p0 $0x1C01  }
0x7a: {  	[timem:s3], [sflag:s2] =	dma.local @!p0 [hbm:s0], s1  }
0x7b: {  	s0 =	simm.s32 @!p0 $0x1  }
0x7c: {  	_ =	swait.ge @!p0 [sflag:s0], s1  }
0x7d: {  	s1 =	ssub.s32 @!p0 $0x0, s1;
	[sflag:s0] =	ssyncset.done @!p0 $0x0  }
0x7e: {  	[sflag:s0] =	ssyncadd.s32 @!p0 s1  }
0x7f: {  	[bflag:$0x3] =	sbarrier.arrive $0xFFFF  }
0x80: {  	_ =	shalt  }

// kernel: sparse-core-data-format-call.3.cloned.1.call-start
scs
called_computation.3_lowered:
.L_overlay_start_0:
0x0: {  	s2 =	sld [smem:$0x3FD9]  }
0x1: {  	s3 =	sld [smem:$0x3FFE];
	_ =	sdelay $0x1  }
0x2: {  	s1 =	srdreg.scid  }
0x3: {  	s0 =	sand.u32 $0x1, s1  }
0x4: {  	s18 =	sshll.u32 s0, $0xA;
	s2 =	sadd.s32 s3, s2  }
0x5: {  	s2 =	sadd.s32 s2, s18  }
0x6: {  	[smem:$0x3FB5] =	sst s2  }
0x7: {  	_ = 	snop  }
0x8: {  	s19 =	sld [smem:$0x3FC8];
	(tm) =	ssettm $0x1  }
0x9: {  	s20 =	sld [smem:$0x3FFB];
	_ =	sdelay $0x3  }
0xa: {  	_ =	strace s20  }
0xb: {  	s2 =	sld [smem:$0x3FFC];
	_ =	sdelay $0x3  }
0xc: {  	_ =	strace s2  }
0xd: {  	s2 =	sld [smem:$0x3FFD];
	_ =	sdelay $0x3  }
0xe: {  	_ =	strace s2  }
0xf: {  	_ =	strace $0x8FFFFFFF  }
0x10: {  	s21 =	sld [smem:$0x3FDB];
	_ =	sdelay $0x1  }
0x11: {  	s4 =	simm.s32 $_scs_section_size  }
0x12: {  	s5 =	simm.s32 $_size__tile_overlayer_lowered;
	s6 =	simm.s32 $_tile_overlayer_lowered  }
0x13: {  	s7 =	simm.s32 $0x1BFF;
	s22 =	sshll.u32 s6, $0x1;
	s4 =	sadd.s32 s4, s21  }
0x14: {  	s23 =	simm.s32 $0x0;
	s5 =	sshll.u32 s5, $0x1;
	s6 =	sadd.s32 s22, s4  }
0x15: {  	[timem:s23], [sflag:s7] =	dma.local [hbm:s6], s5  }
0x16: {  	_ =	swait.ge [sflag:s7], s5  }
0x17: {  	s5 =	ssub.s32 $0x0, s5;
	[sflag:s7] =	ssyncset.done $0x0  }
0x18: {  	[sflag:s7] =	ssyncadd.s32 s5;
	_ =	sdelay $0x1  }
0x19: {  	s24 =	simm.s32 $0x1B8B  }
0x1a: {  	_ =	swait.ge [sflag:s24], $0x1  }
0x1b: {  	[sflag:s24] =	ssyncset.done $0x0  }
0x1c: {  	[sflag:s24] =	ssyncadd.s32 $0xFFFFFFFF  }
0x1d: {  	s5 =	sld [smem:$0x0]  }
0x1e: {  	s6 =	sand.u32 $0xFFFFFFFE, s1  }
0x1f: {  	p0 =	sne.s32 s1, s6  }
0x20: {  	s6 =	sshll.u32 @p0 s6, $0xE  }
0x21: {  	s6 =	sadd.s32 @p0 $0x11B8D, s6;
	s7 =	sshll.u32 @p0 s5, $0x11  }
0x22: {  	s6 =	sor.u32 @p0 s7, s6  }
0x23: {  	[sflag:s6] =	ssyncadd.remote.s32 @p0 $0x1;
	_ =	sdelay $0x1  }
0x24: {  	s6 =	simm.s32 @p0 $0x1B8D  }
0x25: {  	_ =	swait.eq @p0 [sflag:s6], $0x1  }
0x26: {  	[sflag:s6] =	ssyncadd.s32 @p0 $0xFFFFFFFF  }
0x27: {  	s7 =	sshll.u32 @!p0 s1, $0xE  }
0x28: {  	s7 =	sor.u32 @!p0 $0x4000, s7;
	s6 =	simm.s32 @!p0 $0x1B8D  }
0x29: {  	s5 =	sshll.u32 @!p0 s5, $0x11;
	s7 =	sadd.s32 @!p0 $0x11B8D, s7;
	_ =	swait.eq @!p0 [sflag:s6], $0x1  }
0x2a: {  	s5 =	sor.u32 @!p0 s5, s7;
	[sflag:s6] =	ssyncadd.s32 @!p0 $0xFFFFFFFF  }
0x2b: {  	s26 =	simm.s32 $0x1B8E;
	s25 =	sld [smem:$0x3FFE];
	[sflag:s5] =	ssyncadd.remote.s32 @!p0 $0x1  }
0x2c: {  	s27 =	simm.s32 $execute0_lowered;
	[smem:$0x3FD2] =	sst s26  }
0x2d: {  	s6 =	sshll.u32 s27, $0x1;
	_ =	strace $0x80000049;
	[dreg:$0x1] =	wrdreg $0xFFFFFFFF  }
0x2e: {  	s28 =	simm.s32 $_size_execute0_lowered;
	s4 =	sadd.s32 s4, s6;
	[dreg:$0x0] =	wrdreg $0x0  }
0x2f: {  	s6 =	sshll.u32 s28, $0x1;
	[dreg:$0x2] =	wrdreg s4  }
0x30: {  	[dreg:$0x3] =	wrdreg s6  }
0x31: {  	[dreg:$0x4] =	wrdreg $0xC0  }
0x32: {  	_ =	task [dreg:s23], $0x5FFFF  }
0x33: {  	[dreg:$0x1] =	wrdreg $0xFFFFFFFF  }
0x34: {  	[dreg:$0x0] =	wrdreg $0x60  }
0x35: {  	[dreg:$0x2] =	wrdreg s19  }
0x36: {  	[dreg:$0x3] =	wrdreg s25  }
0x37: {  	[dreg:$0x4] =	wrdreg $0xC  }
0x38: {  	_ =	task.clear_ibuf [dreg:s23], $0x5FFFF;
	_ =	strace $0x90000049  }
0x39: {  	s29 =	simm.s32 $0xC;
	_ =	strace $0x8000004B  }
0x3a: {  	_ =	swait.ge [sflag:s29], $0x1  }
0x3b: {  	[sflag:s29] =	ssyncadd.s32 $0xFFFFFFFF  }
0x3c: {  	_ =	strace $0x9000004B  }
0x3d: {  	_ =	sfence  }
0x3e: {  	s30 =	sld [smem:$0x0];
	_ =	sdelay $0x2  }
0x3f: {  	s31 =	sshll.u32 s1, $0xD;
	s1 =	sshrl.u32 s1, $0x2  }
0x40: {  	s4 =	sand.u32 $0x4000, s31;
	s1 =	sadd.s32 s1, s30  }
0x41: {  	s0 =	sor.u32 s4, s0;
	s1 =	sshll.u32 s1, $0x11  }
0x42: {  	s0 =	sor.u32 s1, s0  }
0x43: {  	s0 =	sadd.s32 $0x8F2B, s0  }
0x44: {  	[sflag:s0] =	ssyncadd.remote.s32 $0x1  }
0x45: {  	_ =	sfence.sel $0xFFFF  }
0x46: {  	[dreg:$0x0] =	wrdreg $0xFFFFFFFF;
	(pc) =	sbr.abs _section_cstart, $3  }
0x47: {  	[dreg:$0x1] =	wrdreg $0xFFFFFFFF  }
0x48: {  	_ =	task.clear_ibuf [dreg:s23], $0x2FFFF;
	_ =	strace $0x9FFFFFFF  }
0x49: {  	(tm) =	ssettm $0x7FFFFFFF  }
tec
execute0_lowered:
.L_overlay_start_1:
0x0: {  	(tag) =	ssettag $0x1  }
0x1: {  	s2 =	rddreg [dreg:$0x0]  }
0x2: {  	s1 =	rddreg [dreg:$0x1]  }
0x3: {  	s0 =	rddreg [dreg:$0x2]  }
0x4: {  	s4 =	srdreg.scid;
	_ =	strace $0x8000004A;
	s6 =	simm.s32 $0x2  }
0x5: {  	s18 =	simm.s32 $0x0;
	p0 =	por $0x0, $0x0;
	s16 =	simm.s32 $0x0  }
0x6: {  	s17 =	simm.s32 $0x0;
	s19 =	simm.s32 $0x0;
	s7 =	simm.s32 $0x0  }
0x7: {  	s8 =	simm.s32 $0x0;
	s10 =	simm.s32 $0x0;
	s11 =	simm.s32 $0x0  }
.Ltmp0:
0x8: {  	s12 =	simm.s32 $0x0;
	s13 =	simm.s32 $0x0;
	(pc) =	sbr.rel .LBB1_1-.Ltmp0, $4  }
0x9: {  	s14 =	simm.s32 $0x0;
	s3 =	sadd.s32 $0x518E00, s1;
	s4 =	sshll.u32 s4, $0x4  }
0xa: {  	s1 =	stileid.u32;
	s5 =	sand.u32 $0x10, s4;
	s4 =	simm.s32 $0x1  }
0xb: {  	s9 =	simm.s32 $0x0;
	s5 =	sor.u32 s1, s5;
	[sflag:s4] =	ssyncpa.u1 $0x0  }
0xc: {  	[sflag:s6] =	ssyncpa.u1 $0x0;
	s6 =	simm.s32 $0x800;
	s15 =	smov.u32 s5  }
.LBB1_5:
0xd: {  	p1 =	slt.u32 s9, $0x2;
	s20 =	smov.u32 s19  }
0xe: {  	s23 =	smov.u32 s15;
	s9 =	sadd.s32 $0x1, s9;
	p0 =	por !p0, !p0  }
0xf: {  	p2 =	sgt.s32 @!p1 s19, $0x3F;
	s21 =	sshra.s32 @!p1 s19, $0x1F;
	p4 =	sgt.s32 @!p1 s17, $0xF  }
0x10: {  	p2 =	por !p2, p1;
	s19 =	sand.u32 @!p1 s21, s19;
	s21 =	sshra.s32 @!p1 s18, $0x1F  }
0x11: {  	p4 =	por !p4, p1;
	s20 =	simm.s32 @p2 $0x3F;
	p2 =	sgt.s32 @!p1 s18, $0xC5  }
0x12: {  	s19 =	ssub.s32 @!p1 s20, s19;
	p2 =	por !p2, p1;
	s20 =	smov.u32 s18  }
0x13: {  	s18 =	sand.u32 @!p1 s21, s18;
	s21 =	sadd.s32 @!p1 $0xFFFFFFC1, s19;
	s20 =	simm.s32 @p2 $0xC5  }
0x14: {  	s19 =	ssub.s32 @!p1 $0x40, s19;
	p2 =	sgt.s32 @!p1 s21, $0x0;
	s18 =	ssub.s32 @!p1 s20, s18  }
0x15: {  	s21 =	sshra.s32 @!p1 s17, $0x1F;
	p3 =	por !p2, p1;
	s20 =	sadd.s32 @!p1 $0xFFFFFF3B, s18  }
0x16: {  	p2 =	sgt.s32 @!p1 s20, $0x7F;
	s20 =	smov.u32 s17;
	s17 =	sand.u32 @!p1 s21, s17  }
0x17: {  	s21 =	sshra.s32 @!p1 s16, $0x1F;
	s20 =	simm.s32 @p4 $0xF;
	p4 =	sgt.s32 @!p1 s16, $0x40  }
0x18: {  	s17 =	ssub.s32 @!p1 s20, s17;
	p4 =	por !p4, p1;
	s20 =	smov.u32 s16  }
0x19: {  	s16 =	sand.u32 @!p1 s21, s16;
	s21 =	sadd.s32 @!p1 $0xFFFFFFF1, s17;
	s20 =	simm.s32 @p4 $0x40  }
0x1a: {  	s19 =	simm.s32 @!p3 $0x0;
	p3 =	sgt.s32 @!p1 s21, $0x0;
	s16 =	ssub.s32 @!p1 s20, s16  }
0x1b: {  	s17 =	ssub.s32 @!p1 $0x10, s17;
	p3 =	por !p3, p1;
	s20 =	sadd.s32 @!p1 $0xFFFFFFC0, s16  }
0x1c: {  	s21 =	smov.u32 s13;
	s17 =	simm.s32 @!p3 $0x0;
	p3 =	sgt.s32 @!p1 s20, $0x3F  }
0x1d: {  	s16 =	ssub.s32 @!p1 $0x80, s16;
	s20 =	sadd.s32 $0x80, s12;
	p3 =	por !p3, p1  }
0x1e: {  	s17 =	smul.u32 @!p1 s19, s17;
	p4 =	sgt.s32 s20, $0x144;
	s19 =	sadd.s32 $0x40, s13  }
0x1f: {  	s24 =	simm.s32 @!p1 $0x2;
	s16 =	simm.s32 @!p3 $0x0;
	s21 =	smov.u32 @p4 s19  }
0x20: {  	s16 =	smul.u32 @!p1 s16, s17;
	p3 =	sgt.s32 s21, $0x3F;
	s17 =	simm.s32 $0x1  }
0x21: {  	s18 =	ssub.s32 @!p1 $0x145, s18;
	p2 =	por !p2, p1;
	s17 =	simm.s32 @!p3 $0x0  }
0x22: {  	s18 =	simm.s32 @!p2 $0x0;
	s20 =	simm.s32 @p4 $0x0;
	s22 =	sadd.s32 s17, s14  }
0x23: {  	s19 =	smov.u32 s11;
	s17 =	sadd.s32 $0x20, s15;
	p2 =	sgt.s32 s22, $0xB  }
0x24: {  	s11 =	smov.u32 s15;
	s21 =	simm.s32 @p3 $0x0;
	s23 =	smov.u32 @p2 s17  }
0x25: {  	s16 =	smul.u32 @!p1 s18, s16;
	s22 =	simm.s32 @p2 $0x0;
	p2 =	sgt.s32 s23, $0x3F  }
0x26: {  	s18 =	smov.u32 s7;
	s23 =	smov.u32 @p2 s5;
	p2 =	sne.s32 s9, $0x4A  }
.Ltmp1:
0x27: {  	s7 =	smov.u32 s12;
	s12 =	smov.u32 s20;
	(pc) =	sbr.rel @!p2 .LBB1_6-.Ltmp1, $4  }
0x28: {  	s16 =	sand.u32 @!p1 $0x3FFFFFFF, s16;
	s17 =	smov.u32 s10;
	s10 =	smov.u32 s14  }
0x29: {  	_ =	swait.ge @!p1 [sflag:s24], s16;
	s25 =	ssub.s32 @!p1 $0x0, s16;
	s16 =	smov.u32 s8  }
0x2a: {  	s8 =	smov.u32 s13;
	s13 =	smov.u32 s21;
	[sflag:s24] =	ssyncset.done @!p1 $0x0  }
0x2b: {  	s14 =	smov.u32 s22;
	[sflag:s24] =	ssyncadd.s32 @!p1 s25;
	s15 =	smov.u32 s23  }
.LBB1_1:
0x2c: {  	p1 =	sgt.u32 s9, $0x47  }
0x2d: {  	s20 =	sshrl.u32 @!p1 s13, $0x3  }
0x2e: {  	s21 =	sshll.u32 @!p1 s12, $0x3;
	s20 =	smul.u32 @!p1 $0xC00, s20  }
0x2f: {  	s22 =	sshll.u32 @!p1 s13, $0x7;
	s21 =	sand.u32 @!p1 $0xFFFFFC00, s21  }
0x30: {  	s20 =	sadd.s32 @!p1 s20, s21;
	s21 =	sand.u32 @!p1 $0x380, s22  }
0x31: {  	s22 =	sand.u32 @!p1 $0x7F, s12;
	s20 =	sor.u32 @!p1 s21, s20  }
0x32: {  	s21 =	sor.u32 @!p1 s22, s20  }
0x33: {  	s22 =	smulhi.u32 @!p1 $0xAAAAAAAB, s21  }
0x34: {  	s20 =	smulhi.u32 @!p1 $0xAAAAAAAB, s20  }
0x35: {  	s24 =	smul.u32 @!p1 $0x9000, s15;
	s22 =	sshrl.u32 @!p1 s22, $0x8  }
0x36: {  	s23 =	sxor.u32 @!p1 $0xFFFFFFFF, s9;
	s20 =	sshrl.u32 @!p1 s20, $0x8;
	s22 =	smul.u32 @!p1 $0x180, s22  }
0x37: {  	s25 =	smul.u32 @!p1 $0xC00, s14;
	s23 =	sshll.u32 @!p1 s23, $0xD;
	s20 =	sand.u32 @!p1 $0x3F, s20  }
0x38: {  	s20 =	smul.u32 @!p1 $0x30, s20;
	s21 =	ssub.s32 @!p1 s21, s22;
	s22 =	sadd.s32 @!p1 s2, s24  }
0x39: {  	s23 =	sand.u32 @!p1 $0x2000, s23;
	s22 =	sadd.s32 @!p1 s25, s22;
	s24 =	sand.u32 @!p1 $0x7, s21  }
0x3a: {  	s21 =	sshrl.u32 @!p1 s21, $0x3;
	s20 =	sadd.s32 @!p1 s20, s22;
	s22 =	sshll.u32 @!p1 s24, $0x12  }
0x3b: {  	s20 =	sadd.s32 @!p1 s21, s20;
	s21 =	sor.u32 @!p1 $0x400, s22;
	s22 =	simm.s32 @!p1 $0xC00  }
0x3c: {  	[tilespmem:s23], [sflag:$0x1] =	stream.strided.gather @!p1 [hbm4b:s20+s21], $0x2000, s22, s21, $0x38;
	[tilespmem:$0x8100] =	vst v63  }
0x3d: {  	p1 =	seq.s32 s9, $0x0  }
0x3e: {  	p2 =	seq.s32 @!p1 s9, $0x49  }
0x3f: {  	p1 =	por p1, p2  }
.Ltmp2:
0x40: {  	_ = 	snop;
	(pc) =	sbr.rel @p1 .LBB1_5-.Ltmp2, $1  }
0x41: {  	_ =	sdelay $0x3  }
0x42: {  	s20 =	simm.s32 $0x1  }
0x43: {  	_ =	swait.ge [sflag:s4], $0x2000;
	s20 =	simm.s32 @!p0 $0x0  }
0x44: {  	[sflag:s4] =	ssyncset.done $0x0;
	s21 =	sshll.u32 s20, $0xD  }
0x45: {  	[sflag:s4] =	ssyncadd.s32 $0xFFFFE000;
	s21 =	sor.u32 $0x40, s21  }
0x46: {  	s20 =	smul.u32 $0x8200, s20;
	v0 =	vld [tilespmem:s21+$0x30]  }
0x47: {  	v1 =	vld [tilespmem:s21+$0xFFFFFFD0]  }
0x48: {  	s20 =	sshrl.u32 s20, $0x2;
	v5 =	vld [tilespmem:s21+$0xFFFFFFE0]  }
0x49: {  	v6 =	vld [tilespmem:s21+$0xFFFFFFF0];
	s23 =	sor.u32 $0x4000, s20  }
0x4a: {  	s31 =	sand.u32 $0x1, s9;
	v4 =	vld [tilespmem:s21+$0x0];
	s22 =	sadd.s32 $0x0, s23  }
0x4b: {  	v3 =	vld [tilespmem:s21+$0x10];
	s20 =	smul.u32 $0x8200, s31;
	[tilespmem:s22+$0x1C70 ss:$0x41] =	vst.msk $0xffff, v0  }
0x4c: {  	v2 =	vld [tilespmem:s21+$0x20];
	[tilespmem:s22+$0x410 ss:$0x41] =	vst.msk $0xffff, v1  }
0x4d: {  	s20 =	sshrl.u32 s20, $0x2;
	v1 =	vld [tilespmem:s21+$0xFFFFFFC0];
	[tilespmem:s22+$0x820 ss:$0x41] =	vst.msk $0xffff, v5;
	s21 =	sadd.s32 $0x80, s21  }
0x4e: {  	s24 =	simm.s32 $0x4;
	s25 =	simm.s32 $0x8;
	s20 =	sor.u32 $0x4000, s20;
	[tilespmem:s22+$0xC30 ss:$0x41] =	vst.msk $0xffff, v6;
	v0 =	vld [tilespmem:s21+$0x30]  }
.LBB1_3:
0x4f: {  	p1 =	sne.s32 s25, $0xFC;
	v5 =	vld [tilespmem:s21+$0xFFFFFFD0];
	[tilespmem:s22+$0x1040 ss:$0x41] =	vst.msk $0xffff, v4  }
0x50: {  	v6 =	vld [tilespmem:s21+$0xFFFFFFE0];
	[tilespmem:s22+$0x1450 ss:$0x41] =	vst.msk $0xffff, v3  }
0x51: {  	s26 =	sshra.s32 s24, $0x2;
	s24 =	smov.u32 s25;
	v7 =	vld [tilespmem:s21+$0xFFFFFFF0];
	[tilespmem:s22+$0x1860 ss:$0x41] =	vst.msk $0xffff, v2  }
.Ltmp3:
0x52: {  	v4 =	vld [tilespmem:s21+$0x0];
	[tilespmem:s22+$0x0 ss:$0x41] =	vst.msk $0xffff, v1;
	s22 =	sadd.s32 s26, s23;
	(pc) =	sbr.rel @p1 .LBB1_3-.Ltmp3, $4  }
0x53: {  	v3 =	vld [tilespmem:s21+$0x10];
	[tilespmem:s22+$0x1C70 ss:$0x41] =	vst.msk $0xffff, v0  }
0x54: {  	[tilespmem:s22+$0x410 ss:$0x41] =	vst.msk $0xffff, v5;
	v2 =	vld [tilespmem:s21+$0x20]  }
0x55: {  	v1 =	vld [tilespmem:s21+$0xFFFFFFC0];
	[tilespmem:s22+$0x820 ss:$0x41] =	vst.msk $0xffff, v6;
	s21 =	sadd.s32 $0x80, s21  }
0x56: {  	s25 =	sadd.s32 $0x4, s25;
	v0 =	vld [tilespmem:s21+$0x30];
	[tilespmem:s22+$0xC30 ss:$0x41] =	vst.msk $0xffff, v7  }
0x57: {  	p1 =	sgt.s32 s11, $0x3F  }
0x58: {  	s25 =	smov.u32 s11;
	s26 =	sshra.s32 s11, $0x1F;
	s24 =	sshra.s32 s24, $0x2  }
0x59: {  	p2 =	sgt.s32 s7, $0xC5;
	s27 =	sshra.s32 s7, $0x1F;
	s28 =	smov.u32 s10  }
0x5a: {  	s30 =	sshra.s32 s10, $0x1F;
	s25 =	simm.s32 @!p1 $0x3F;
	s26 =	sand.u32 s26, s11  }
0x5b: {  	s29 =	smov.u32 s8;
	s23 =	sadd.s32 s24, s23;
	s25 =	ssub.s32 s25, s26  }
0x5c: {  	s24 =	sshll.u32 s10, $0x7;
	s27 =	sand.u32 s27, s7;
	s26 =	sadd.s32 $0xFFFFFFC1, s25  }
0x5d: {  	s25 =	ssub.s32 $0x40, s25;
	p1 =	sgt.s32 s26, $0x0;
	s26 =	smov.u32 s7  }
0x5e: {  	s26 =	simm.s32 @!p2 $0xC5;
	p2 =	sgt.s32 s10, $0xF;
	s25 =	simm.s32 @p1 $0x0  }
0x5f: {  	s26 =	ssub.s32 s26, s27;
	s28 =	simm.s32 @!p2 $0xF;
	s27 =	sand.u32 s30, s10  }
0x60: {  	p2 =	sgt.s32 s8, $0x40;
	s30 =	sshra.s32 s8, $0x1F;
	s27 =	ssub.s32 s28, s27  }
0x61: {  	s29 =	simm.s32 @!p2 $0x40;
	s31 =	sand.u32 s30, s8;
	s30 =	sshll.u32 s8, $0x3  }
0x62: {  	v5 =	vld [tilespmem:s21+$0xFFFFFFD0];
	[tilespmem:s22+$0x1040 ss:$0x41] =	vst.msk $0xffff, v4;
	s28 =	ssub.s32 s29, s31;
	s31 =	sadd.s32 $0xFFFFFFF1, s27;
	s27 =	ssub.s32 $0x10, s27  }
0x63: {  	v58 =	vld [tilespmem:s21+$0xFFFFFFE0];
	[tilespmem:s22+$0x1450 ss:$0x41] =	vst.msk $0xffff, v3;
	s30 =	sand.u32 $0x400, s30;
	p2 =	sgt.s32 s31, $0x0;
	s31 =	sadd.s32 $0xFFFFFFC0, s28  }
0x64: {  	v59 =	vld [tilespmem:s21+$0xFFFFFFF0];
	[tilespmem:s22+$0x1860 ss:$0x41] =	vst.msk $0xffff, v2;
	s29 =	sshrl.u32 s8, $0x3;
	p1 =	sgt.s32 s31, $0x3F;
	s27 =	simm.s32 @p2 $0x0  }
0x65: {  	v60 =	vld [tilespmem:s21+$0x0];
	[tilespmem:s22+$0x0 ss:$0x41] =	vst.msk $0xffff, v1;
	s31 =	sand.u32 $0x400, s24;
	s22 =	smul.u32 s25, s27;
	s27 =	ssub.s32 $0x80, s28  }
0x66: {  	v61 =	vld [tilespmem:s21+$0x10];
	[tilespmem:s23+$0x1C70 ss:$0x41] =	vst.msk $0xffff, v0;
	s24 =	sand.u32 $0x380, s24;
	s25 =	sadd.s32 $0xFFFFFF3B, s26;
	s27 =	simm.s32 @p1 $0x0  }
0x67: {  	v62 =	vld [tilespmem:s21+$0x20];
	[tilespmem:s23+$0x410 ss:$0x41] =	vst.msk $0xffff, v5;
	s31 =	sadd.s32 s31, s30;
	s28 =	sshll.u32 s7, $0x8;
	s22 =	smul.u32 s27, s22  }
0x68: {  	v63 =	vld [tilespmem:s21+$0xFFFFFFC0];
	[tilespmem:s23+$0x820 ss:$0x41] =	vst.msk $0xffff, v58;
	p2 =	sgt.s32 s25, $0x7F;
	s25 =	ssub.s32 $0x145, s26;
	s27 =	smul.u32 $0x14500, s11  }
0x69: {  	[tilespmem:s23+$0xC30 ss:$0x41] =	vst.msk $0xffff, v59;
	s30 =	sand.u32 $0x7, s8;
	s26 =	sor.u32 s24, s31;
	s25 =	simm.s32 @p2 $0x0  }
.Ltmp4:
0x6a: {  	[tilespmem:s23+$0x1040 ss:$0x41] =	vst.msk $0xffff, v60;
	s21 =	sshrl.u32 s26, $0x3;
	s24 =	sadd.s32 s3, s27;
	(pc) =	sbr.rel .LBB1_5-.Ltmp4, $4  }
0x6b: {  	[tilespmem:s23+$0x1450 ss:$0x41] =	vst.msk $0xffff, v61;
	s26 =	sand.u32 $0xF, s29;
	s22 =	smul.u32 s25, s22;
	s24 =	sadd.s32 s28, s24  }
0x6c: {  	[tilespmem:s23+$0x1860 ss:$0x41] =	vst.msk $0xffff, v62;
	s21 =	sand.u32 $0xF0, s21;
	s25 =	sshll.u32 s30, $0x12;
	s24 =	sadd.s32 s26, s24  }
0x6d: {  	[tilespmem:s23+$0x0 ss:$0x41] =	vst.msk $0xffff, v63;
	s31 =	sor.u32 $0x40, s25;
	s22 =	sand.u32 $0x3FFFFFFF, s22;
	s21 =	sadd.s32 s21, s24  }
0x6e: {  	[hbm4b:s21+s31] =	stream.strided.scatter [tilespmem:s20], [sflag:$0x2], s22, s6, s31, $0x18;
	[tilespmem:$0x8100] =	vst v63  }
.LBB1_6:
0x6f: {  	_ =	sfence.sel $0x180000  }
0x70: {  	s2 =	simm.s32 $0x1;
	[bflag:$0x0] =	sbarrier.arrive $0xFFFF  }
0x71: {  	s31 =	simm.s32 $0x2;
	[sflag:s2] =	ssyncpa.u1 $0x1  }
0x72: {  	[sflag:s31] =	ssyncpa.u1 $0x1  }
0x73: {  	p0 =	sne.s32 s1, $0x0;
	_ =	strace $0x9000004A  }
0x74: {  	s0 =	sadd.s32 @!p0 $0x100000, s0;
	[bflag:$0x2] =	sbarrier.arrive $0xFFFF  }
0x75: {  	[sflag:s0] =	ssyncadd.tile.s32 @!p0 $0x1;
	_ =	shalt  }
.Lfunc_end1:
_tile_overlayer_lowered:
.L_overlay_start_2:
0x76: {  	(tag) =	ssettag $0x2  }
0x77: {  	s0 =	rddreg [dreg:$0x0];
	s2 =	stileid.u32  }
0x78: {  	s1 =	rddreg [dreg:$0x1];
	p0 =	sne.s32 s2, $0x0  }
0x79: {  	s3 =	rddreg [dreg:$0x2];
	[bflag:$0x3] =	sbarrier.arrive $0xFFFF;
	s2 =	simm.s32 @!p0 $0x1C01  }
0x7a: {  	[timem:s3], [sflag:s2] =	dma.local @!p0 [hbm:s0], s1  }
0x7b: {  	s0 =	simm.s32 @!p0 $0x1  }
0x7c: {  	_ =	swait.ge @!p0 [sflag:s0], s1  }
0x7d: {  	s1 =	ssub.s32 @!p0 $0x0, s1;
	[sflag:s0] =	ssyncset.done @!p0 $0x0  }
0x7e: {  	[sflag:s0] =	ssyncadd.s32 @!p0 s1  }
0x7f: {  	[bflag:$0x3] =	sbarrier.arrive $0xFFFF  }
0x80: {  	_ =	shalt  }

// kernel: sparse-core-data-format-call.cloned.1.call-start
scs
called_computation_lowered:
.L_overlay_start_0:
0x0: {  	s2 =	sld [smem:$0x3FD9]  }
0x1: {  	s3 =	sld [smem:$0x3FFE];
	_ =	sdelay $0x1  }
0x2: {  	s1 =	srdreg.scid  }
0x3: {  	s0 =	sand.u32 $0x1, s1  }
0x4: {  	s18 =	sshll.u32 s0, $0xA;
	s2 =	sadd.s32 s3, s2  }
0x5: {  	s2 =	sadd.s32 s2, s18  }
0x6: {  	[smem:$0x3FB5] =	sst s2  }
0x7: {  	_ = 	snop  }
0x8: {  	s2 =	sld [smem:$0x3FC5];
	(tm) =	ssettm $0x1  }
0x9: {  	s19 =	sld [smem:$0x3FFB];
	_ =	sdelay $0x3  }
0xa: {  	_ =	strace s19  }
0xb: {  	s3 =	sld [smem:$0x3FFC];
	_ =	sdelay $0x3  }
0xc: {  	_ =	strace s3  }
0xd: {  	s3 =	sld [smem:$0x3FFD];
	_ =	sdelay $0x3  }
0xe: {  	_ =	strace s3  }
0xf: {  	_ =	strace $0x8FFFFFFF  }
0x10: {  	s20 =	sld [smem:$0x3FDB];
	_ =	sdelay $0x1  }
0x11: {  	s4 =	simm.s32 $_scs_section_size  }
0x12: {  	s5 =	simm.s32 $_size__tile_overlayer_lowered;
	s6 =	simm.s32 $_tile_overlayer_lowered  }
0x13: {  	s23 =	simm.s32 $0x1BFF;
	s22 =	sshll.u32 s6, $0x1;
	s3 =	sadd.s32 s4, s20  }
0x14: {  	s7 =	simm.s32 $0x0;
	s21 =	sshll.u32 s5, $0x1;
	s5 =	sadd.s32 s22, s3  }
0x15: {  	[timem:s7], [sflag:s23] =	dma.local [hbm:s5], s21  }
0x16: {  	_ =	swait.ge [sflag:s23], s21  }
0x17: {  	s4 =	ssub.s32 $0x0, s21;
	[sflag:s23] =	ssyncset.done $0x0  }
0x18: {  	[sflag:s23] =	ssyncadd.s32 s4;
	_ =	sdelay $0x1  }
0x19: {  	s24 =	simm.s32 $0x1B8B  }
0x1a: {  	_ =	swait.ge [sflag:s24], $0x1  }
0x1b: {  	[sflag:s24] =	ssyncset.done $0x0  }
0x1c: {  	s26 =	simm.s32 $0x1B8E;
	s25 =	sld [smem:$0x3FFE];
	[sflag:s24] =	ssyncadd.s32 $0xFFFFFFFF  }
0x1d: {  	s27 =	simm.s32 $execute0_lowered;
	[smem:$0x3FD2] =	sst s26  }
0x1e: {  	s5 =	sshll.u32 s27, $0x1;
	_ =	strace $0x80000046;
	[dreg:$0x1] =	wrdreg $0xFFFFFFFF  }
0x1f: {  	s28 =	simm.s32 $_size_execute0_lowered;
	s3 =	sadd.s32 s3, s5;
	[dreg:$0x0] =	wrdreg $0x0  }
0x20: {  	s5 =	sshll.u32 s28, $0x1;
	[dreg:$0x2] =	wrdreg s3  }
0x21: {  	[dreg:$0x3] =	wrdreg s5  }
0x22: {  	[dreg:$0x4] =	wrdreg $0xC0  }
0x23: {  	_ =	task [dreg:s7], $0x5FFFF  }
0x24: {  	[dreg:$0x1] =	wrdreg $0xFFFFFFFF  }
0x25: {  	[dreg:$0x0] =	wrdreg $0x60  }
0x26: {  	[dreg:$0x2] =	wrdreg s2  }
0x27: {  	[dreg:$0x3] =	wrdreg s25  }
0x28: {  	[dreg:$0x4] =	wrdreg $0x9  }
0x29: {  	_ =	task.clear_ibuf [dreg:s7], $0x5FFFF;
	_ =	strace $0x90000046  }
0x2a: {  	s29 =	simm.s32 $0x9;
	_ =	strace $0x80000048  }
0x2b: {  	_ =	swait.ge [sflag:s29], $0x1  }
0x2c: {  	[sflag:s29] =	ssyncadd.s32 $0xFFFFFFFF  }
0x2d: {  	_ =	strace $0x90000048  }
0x2e: {  	_ =	sfence  }
0x2f: {  	s30 =	sld [smem:$0x0];
	_ =	sdelay $0x2  }
0x30: {  	s31 =	sshll.u32 s1, $0xD;
	s1 =	sshrl.u32 s1, $0x2  }
0x31: {  	s3 =	sand.u32 $0x4000, s31;
	s1 =	sadd.s32 s1, s30  }
0x32: {  	s0 =	sor.u32 s3, s0;
	s1 =	sshll.u32 s1, $0x11  }
0x33: {  	s0 =	sor.u32 s1, s0  }
0x34: {  	s0 =	sadd.s32 $0x8F2B, s0  }
0x35: {  	[sflag:s0] =	ssyncadd.remote.s32 $0x1  }
0x36: {  	_ =	sfence.sel $0xFFFF  }
0x37: {  	[dreg:$0x0] =	wrdreg $0xFFFFFFFF;
	(pc) =	sbr.abs _section_cstart, $3  }
0x38: {  	[dreg:$0x1] =	wrdreg $0xFFFFFFFF  }
0x39: {  	_ =	task.clear_ibuf [dreg:s7], $0x2FFFF;
	_ =	strace $0x9FFFFFFF  }
0x3a: {  	(tm) =	ssettm $0x7FFFFFFF  }
0x3b: {  	_ =	shalt  }
tec
execute0_lowered:
.L_overlay_start_1:
0x0: {  	(tag) =	ssettag $0x1  }
0x1: {  	s2 =	rddreg [dreg:$0x0]  }
0x2: {  	s1 =	rddreg [dreg:$0x1]  }
0x3: {  	s0 =	rddreg [dreg:$0x2]  }
0x4: {  	s4 =	srdreg.scid;
	_ =	strace $0x80000047;
	s6 =	simm.s32 $0x2  }
0x5: {  	s18 =	simm.s32 $0x0;
	p0 =	por $0x0, $0x0;
	s16 =	simm.s32 $0x0  }
0x6: {  	s17 =	simm.s32 $0x0;
	s19 =	simm.s32 $0x0;
	s7 =	simm.s32 $0x0  }
0x7: {  	s8 =	simm.s32 $0x0;
	s10 =	simm.s32 $0x0;
	s11 =	simm.s32 $0x0  }
.Ltmp0:
0x8: {  	s12 =	simm.s32 $0x0;
	s13 =	simm.s32 $0x0;
	(pc) =	sbr.rel .LBB1_1-.Ltmp0, $4  }
0x9: {  	s14 =	simm.s32 $0x0;
	s3 =	sadd.s32 $0x4E00, s1;
	s4 =	sshll.u32 s4, $0x4  }
0xa: {  	s1 =	stileid.u32;
	s5 =	sand.u32 $0x10, s4;
	s4 =	simm.s32 $0x1  }
0xb: {  	s9 =	simm.s32 $0x0;
	s5 =	sor.u32 s1, s5;
	[sflag:s4] =	ssyncpa.u1 $0x0  }
0xc: {  	[sflag:s6] =	ssyncpa.u1 $0x0;
	s6 =	simm.s32 $0x800;
	s15 =	smov.u32 s5  }
.LBB1_5:
0xd: {  	p1 =	slt.u32 s9, $0x2;
	s20 =	smov.u32 s19  }
0xe: {  	s23 =	smov.u32 s15;
	s9 =	sadd.s32 $0x1, s9;
	p0 =	por !p0, !p0  }
0xf: {  	p2 =	sgt.s32 @!p1 s19, $0x3F;
	s21 =	sshra.s32 @!p1 s19, $0x1F;
	p4 =	sgt.s32 @!p1 s17, $0xF  }
0x10: {  	p2 =	por !p2, p1;
	s19 =	sand.u32 @!p1 s21, s19;
	s21 =	sshra.s32 @!p1 s18, $0x1F  }
0x11: {  	p4 =	por !p4, p1;
	s20 =	simm.s32 @p2 $0x3F;
	p2 =	sgt.s32 @!p1 s18, $0xC5  }
0x12: {  	s19 =	ssub.s32 @!p1 s20, s19;
	p2 =	por !p2, p1;
	s20 =	smov.u32 s18  }
0x13: {  	s18 =	sand.u32 @!p1 s21, s18;
	s21 =	sadd.s32 @!p1 $0xFFFFFFC1, s19;
	s20 =	simm.s32 @p2 $0xC5  }
0x14: {  	s19 =	ssub.s32 @!p1 $0x40, s19;
	p2 =	sgt.s32 @!p1 s21, $0x0;
	s18 =	ssub.s32 @!p1 s20, s18  }
0x15: {  	s21 =	sshra.s32 @!p1 s17, $0x1F;
	p3 =	por !p2, p1;
	s20 =	sadd.s32 @!p1 $0xFFFFFF3B, s18  }
0x16: {  	p2 =	sgt.s32 @!p1 s20, $0x7F;
	s20 =	smov.u32 s17;
	s17 =	sand.u32 @!p1 s21, s17  }
0x17: {  	s21 =	sshra.s32 @!p1 s16, $0x1F;
	s20 =	simm.s32 @p4 $0xF;
	p4 =	sgt.s32 @!p1 s16, $0x40  }
0x18: {  	s17 =	ssub.s32 @!p1 s20, s17;
	p4 =	por !p4, p1;
	s20 =	smov.u32 s16  }
0x19: {  	s16 =	sand.u32 @!p1 s21, s16;
	s21 =	sadd.s32 @!p1 $0xFFFFFFF1, s17;
	s20 =	simm.s32 @p4 $0x40  }
0x1a: {  	s19 =	simm.s32 @!p3 $0x0;
	p3 =	sgt.s32 @!p1 s21, $0x0;
	s16 =	ssub.s32 @!p1 s20, s16  }
0x1b: {  	s17 =	ssub.s32 @!p1 $0x10, s17;
	p3 =	por !p3, p1;
	s20 =	sadd.s32 @!p1 $0xFFFFFFC0, s16  }
0x1c: {  	s21 =	smov.u32 s13;
	s17 =	simm.s32 @!p3 $0x0;
	p3 =	sgt.s32 @!p1 s20, $0x3F  }
0x1d: {  	s16 =	ssub.s32 @!p1 $0x80, s16;
	s20 =	sadd.s32 $0x80, s12;
	p3 =	por !p3, p1  }
0x1e: {  	s17 =	smul.u32 @!p1 s19, s17;
	p4 =	sgt.s32 s20, $0x144;
	s19 =	sadd.s32 $0x40, s13  }
0x1f: {  	s24 =	simm.s32 @!p1 $0x2;
	s16 =	simm.s32 @!p3 $0x0;
	s21 =	smov.u32 @p4 s19  }
0x20: {  	s16 =	smul.u32 @!p1 s16, s17;
	p3 =	sgt.s32 s21, $0x3F;
	s17 =	simm.s32 $0x1  }
0x21: {  	s18 =	ssub.s32 @!p1 $0x145, s18;
	p2 =	por !p2, p1;
	s17 =	simm.s32 @!p3 $0x0  }
0x22: {  	s18 =	simm.s32 @!p2 $0x0;
	s20 =	simm.s32 @p4 $0x0;
	s22 =	sadd.s32 s17, s14  }
0x23: {  	s19 =	smov.u32 s11;
	s17 =	sadd.s32 $0x20, s15;
	p2 =	sgt.s32 s22, $0xB  }
0x24: {  	s11 =	smov.u32 s15;
	s21 =	simm.s32 @p3 $0x0;
	s23 =	smov.u32 @p2 s17  }
0x25: {  	s16 =	smul.u32 @!p1 s18, s16;
	s22 =	simm.s32 @p2 $0x0;
	p2 =	sgt.s32 s23, $0x3F  }
0x26: {  	s18 =	smov.u32 s7;
	s23 =	smov.u32 @p2 s5;
	p2 =	sne.s32 s9, $0x4A  }
.Ltmp1:
0x27: {  	s7 =	smov.u32 s12;
	s12 =	smov.u32 s20;
	(pc) =	sbr.rel @!p2 .LBB1_6-.Ltmp1, $4  }
0x28: {  	s16 =	sand.u32 @!p1 $0x3FFFFFFF, s16;
	s17 =	smov.u32 s10;
	s10 =	smov.u32 s14  }
0x29: {  	_ =	swait.ge @!p1 [sflag:s24], s16;
	s25 =	ssub.s32 @!p1 $0x0, s16;
	s16 =	smov.u32 s8  }
0x2a: {  	s8 =	smov.u32 s13;
	s13 =	smov.u32 s21;
	[sflag:s24] =	ssyncset.done @!p1 $0x0  }
0x2b: {  	s14 =	smov.u32 s22;
	[sflag:s24] =	ssyncadd.s32 @!p1 s25;
	s15 =	smov.u32 s23  }
.LBB1_1:
0x2c: {  	p1 =	sgt.u32 s9, $0x47  }
0x2d: {  	s20 =	sshrl.u32 @!p1 s13, $0x3  }
0x2e: {  	s21 =	sshll.u32 @!p1 s12, $0x3;
	s20 =	smul.u32 @!p1 $0xC00, s20  }
0x2f: {  	s22 =	sshll.u32 @!p1 s13, $0x7;
	s21 =	sand.u32 @!p1 $0xFFFFFC00, s21  }
0x30: {  	s20 =	sadd.s32 @!p1 s20, s21;
	s21 =	sand.u32 @!p1 $0x380, s22  }
0x31: {  	s22 =	sand.u32 @!p1 $0x7F, s12;
	s20 =	sor.u32 @!p1 s21, s20  }
0x32: {  	s21 =	sor.u32 @!p1 s22, s20  }
0x33: {  	s22 =	smulhi.u32 @!p1 $0xAAAAAAAB, s21  }
0x34: {  	s20 =	smulhi.u32 @!p1 $0xAAAAAAAB, s20  }
0x35: {  	s24 =	smul.u32 @!p1 $0x9000, s15;
	s22 =	sshrl.u32 @!p1 s22, $0x8  }
0x36: {  	s23 =	sxor.u32 @!p1 $0xFFFFFFFF, s9;
	s20 =	sshrl.u32 @!p1 s20, $0x8;
	s22 =	smul.u32 @!p1 $0x180, s22  }
0x37: {  	s25 =	smul.u32 @!p1 $0xC00, s14;
	s23 =	sshll.u32 @!p1 s23, $0xD;
	s20 =	sand.u32 @!p1 $0x3F, s20  }
0x38: {  	s20 =	smul.u32 @!p1 $0x30, s20;
	s21 =	ssub.s32 @!p1 s21, s22;
	s22 =	sadd.s32 @!p1 s2, s24  }
0x39: {  	s23 =	sand.u32 @!p1 $0x2000, s23;
	s22 =	sadd.s32 @!p1 s25, s22;
	s24 =	sand.u32 @!p1 $0x7, s21  }
0x3a: {  	s21 =	sshrl.u32 @!p1 s21, $0x3;
	s20 =	sadd.s32 @!p1 s20, s22;
	s22 =	sshll.u32 @!p1 s24, $0x12  }
0x3b: {  	s20 =	sadd.s32 @!p1 s21, s20;
	s21 =	sor.u32 @!p1 $0x400, s22;
	s22 =	simm.s32 @!p1 $0xC00  }
0x3c: {  	[tilespmem:s23], [sflag:$0x1] =	stream.strided.gather @!p1 [hbm4b:s20+s21], $0x2000, s22, s21, $0x38;
	[tilespmem:$0x8100] =	vst v63  }
0x3d: {  	p1 =	seq.s32 s9, $0x0  }
0x3e: {  	p2 =	seq.s32 @!p1 s9, $0x49  }
0x3f: {  	p1 =	por p1, p2  }
.Ltmp2:
0x40: {  	_ = 	snop;
	(pc) =	sbr.rel @p1 .LBB1_5-.Ltmp2, $1  }
0x41: {  	_ =	sdelay $0x3  }
0x42: {  	s20 =	simm.s32 $0x1  }
0x43: {  	_ =	swait.ge [sflag:s4], $0x2000;
	s20 =	simm.s32 @!p0 $0x0  }
0x44: {  	[sflag:s4] =	ssyncset.done $0x0;
	s21 =	sshll.u32 s20, $0xD  }
0x45: {  	[sflag:s4] =	ssyncadd.s32 $0xFFFFE000;
	s21 =	sor.u32 $0x40, s21  }
0x46: {  	s20 =	smul.u32 $0x8200, s20;
	v0 =	vld [tilespmem:s21+$0x30]  }
0x47: {  	v1 =	vld [tilespmem:s21+$0xFFFFFFD0]  }
0x48: {  	s20 =	sshrl.u32 s20, $0x2;
	v5 =	vld [tilespmem:s21+$0xFFFFFFE0]  }
0x49: {  	v6 =	vld [tilespmem:s21+$0xFFFFFFF0];
	s23 =	sor.u32 $0x4000, s20  }
0x4a: {  	s31 =	sand.u32 $0x1, s9;
	v4 =	vld [tilespmem:s21+$0x0];
	s22 =	sadd.s32 $0x0, s23  }
0x4b: {  	v3 =	vld [tilespmem:s21+$0x10];
	s20 =	smul.u32 $0x8200, s31;
	[tilespmem:s22+$0x1C70 ss:$0x41] =	vst.msk $0xffff, v0  }
0x4c: {  	v2 =	vld [tilespmem:s21+$0x20];
	[tilespmem:s22+$0x410 ss:$0x41] =	vst.msk $0xffff, v1  }
0x4d: {  	s20 =	sshrl.u32 s20, $0x2;
	v1 =	vld [tilespmem:s21+$0xFFFFFFC0];
	[tilespmem:s22+$0x820 ss:$0x41] =	vst.msk $0xffff, v5;
	s21 =	sadd.s32 $0x80, s21  }
0x4e: {  	s24 =	simm.s32 $0x4;
	s25 =	simm.s32 $0x8;
	s20 =	sor.u32 $0x4000, s20;
	[tilespmem:s22+$0xC30 ss:$0x41] =	vst.msk $0xffff, v6;
	v0 =	vld [tilespmem:s21+$0x30]  }
.LBB1_3:
0x4f: {  	p1 =	sne.s32 s25, $0xFC;
	v5 =	vld [tilespmem:s21+$0xFFFFFFD0];
	[tilespmem:s22+$0x1040 ss:$0x41] =	vst.msk $0xffff, v4  }
0x50: {  	v6 =	vld [tilespmem:s21+$0xFFFFFFE0];
	[tilespmem:s22+$0x1450 ss:$0x41] =	vst.msk $0xffff, v3  }
0x51: {  	s26 =	sshra.s32 s24, $0x2;
	s24 =	smov.u32 s25;
	v7 =	vld [tilespmem:s21+$0xFFFFFFF0];
	[tilespmem:s22+$0x1860 ss:$0x41] =	vst.msk $0xffff, v2  }
.Ltmp3:
0x52: {  	v4 =	vld [tilespmem:s21+$0x0];
	[tilespmem:s22+$0x0 ss:$0x41] =	vst.msk $0xffff, v1;
	s22 =	sadd.s32 s26, s23;
	(pc) =	sbr.rel @p1 .LBB1_3-.Ltmp3, $4  }
0x53: {  	v3 =	vld [tilespmem:s21+$0x10];
	[tilespmem:s22+$0x1C70 ss:$0x41] =	vst.msk $0xffff, v0  }
0x54: {  	[tilespmem:s22+$0x410 ss:$0x41] =	vst.msk $0xffff, v5;
	v2 =	vld [tilespmem:s21+$0x20]  }
0x55: {  	v1 =	vld [tilespmem:s21+$0xFFFFFFC0];
	[tilespmem:s22+$0x820 ss:$0x41] =	vst.msk $0xffff, v6;
	s21 =	sadd.s32 $0x80, s21  }
0x56: {  	s25 =	sadd.s32 $0x4, s25;
	v0 =	vld [tilespmem:s21+$0x30];
	[tilespmem:s22+$0xC30 ss:$0x41] =	vst.msk $0xffff, v7  }
0x57: {  	p1 =	sgt.s32 s11, $0x3F  }
0x58: {  	s25 =	smov.u32 s11;
	s26 =	sshra.s32 s11, $0x1F;
	s24 =	sshra.s32 s24, $0x2  }
0x59: {  	p2 =	sgt.s32 s7, $0xC5;
	s27 =	sshra.s32 s7, $0x1F;
	s28 =	smov.u32 s10  }
0x5a: {  	s30 =	sshra.s32 s10, $0x1F;
	s25 =	simm.s32 @!p1 $0x3F;
	s26 =	sand.u32 s26, s11  }
0x5b: {  	s29 =	smov.u32 s8;
	s23 =	sadd.s32 s24, s23;
	s25 =	ssub.s32 s25, s26  }
0x5c: {  	s24 =	sshll.u32 s10, $0x7;
	s27 =	sand.u32 s27, s7;
	s26 =	sadd.s32 $0xFFFFFFC1, s25  }
0x5d: {  	s25 =	ssub.s32 $0x40, s25;
	p1 =	sgt.s32 s26, $0x0;
	s26 =	smov.u32 s7  }
0x5e: {  	s26 =	simm.s32 @!p2 $0xC5;
	p2 =	sgt.s32 s10, $0xF;
	s25 =	simm.s32 @p1 $0x0  }
0x5f: {  	s26 =	ssub.s32 s26, s27;
	s28 =	simm.s32 @!p2 $0xF;
	s27 =	sand.u32 s30, s10  }
0x60: {  	p2 =	sgt.s32 s8, $0x40;
	s30 =	sshra.s32 s8, $0x1F;
	s27 =	ssub.s32 s28, s27  }
0x61: {  	s29 =	simm.s32 @!p2 $0x40;
	s31 =	sand.u32 s30, s8;
	s30 =	sshll.u32 s8, $0x3  }
0x62: {  	v5 =	vld [tilespmem:s21+$0xFFFFFFD0];
	[tilespmem:s22+$0x1040 ss:$0x41] =	vst.msk $0xffff, v4;
	s28 =	ssub.s32 s29, s31;
	s31 =	sadd.s32 $0xFFFFFFF1, s27;
	s27 =	ssub.s32 $0x10, s27  }
0x63: {  	v58 =	vld [tilespmem:s21+$0xFFFFFFE0];
	[tilespmem:s22+$0x1450 ss:$0x41] =	vst.msk $0xffff, v3;
	s30 =	sand.u32 $0x400, s30;
	p2 =	sgt.s32 s31, $0x0;
	s31 =	sadd.s32 $0xFFFFFFC0, s28  }
0x64: {  	v59 =	vld [tilespmem:s21+$0xFFFFFFF0];
	[tilespmem:s22+$0x1860 ss:$0x41] =	vst.msk $0xffff, v2;
	s29 =	sshrl.u32 s8, $0x3;
	p1 =	sgt.s32 s31, $0x3F;
	s27 =	simm.s32 @p2 $0x0  }
0x65: {  	v60 =	vld [tilespmem:s21+$0x0];
	[tilespmem:s22+$0x0 ss:$0x41] =	vst.msk $0xffff, v1;
	s31 =	sand.u32 $0x400, s24;
	s22 =	smul.u32 s25, s27;
	s27 =	ssub.s32 $0x80, s28  }
0x66: {  	v61 =	vld [tilespmem:s21+$0x10];
	[tilespmem:s23+$0x1C70 ss:$0x41] =	vst.msk $0xffff, v0;
	s24 =	sand.u32 $0x380, s24;
	s25 =	sadd.s32 $0xFFFFFF3B, s26;
	s27 =	simm.s32 @p1 $0x0  }
0x67: {  	v62 =	vld [tilespmem:s21+$0x20];
	[tilespmem:s23+$0x410 ss:$0x41] =	vst.msk $0xffff, v5;
	s31 =	sadd.s32 s31, s30;
	s28 =	sshll.u32 s7, $0x8;
	s22 =	smul.u32 s27, s22  }
0x68: {  	v63 =	vld [tilespmem:s21+$0xFFFFFFC0];
	[tilespmem:s23+$0x820 ss:$0x41] =	vst.msk $0xffff, v58;
	p2 =	sgt.s32 s25, $0x7F;
	s25 =	ssub.s32 $0x145, s26;
	s27 =	smul.u32 $0x14500, s11  }
0x69: {  	[tilespmem:s23+$0xC30 ss:$0x41] =	vst.msk $0xffff, v59;
	s30 =	sand.u32 $0x7, s8;
	s26 =	sor.u32 s24, s31;
	s25 =	simm.s32 @p2 $0x0  }
.Ltmp4:
0x6a: {  	[tilespmem:s23+$0x1040 ss:$0x41] =	vst.msk $0xffff, v60;
	s21 =	sshrl.u32 s26, $0x3;
	s24 =	sadd.s32 s3, s27;
	(pc) =	sbr.rel .LBB1_5-.Ltmp4, $4  }
0x6b: {  	[tilespmem:s23+$0x1450 ss:$0x41] =	vst.msk $0xffff, v61;
	s26 =	sand.u32 $0xF, s29;
	s22 =	smul.u32 s25, s22;
	s24 =	sadd.s32 s28, s24  }
0x6c: {  	[tilespmem:s23+$0x1860 ss:$0x41] =	vst.msk $0xffff, v62;
	s21 =	sand.u32 $0xF0, s21;
	s25 =	sshll.u32 s30, $0x12;
	s24 =	sadd.s32 s26, s24  }
0x6d: {  	[tilespmem:s23+$0x0 ss:$0x41] =	vst.msk $0xffff, v63;
	s31 =	sor.u32 $0x40, s25;
	s22 =	sand.u32 $0x3FFFFFFF, s22;
	s21 =	sadd.s32 s21, s24  }
0x6e: {  	[hbm4b:s21+s31] =	stream.strided.scatter [tilespmem:s20], [sflag:$0x2], s22, s6, s31, $0x18;
	[tilespmem:$0x8100] =	vst v63  }
.LBB1_6:
0x6f: {  	_ =	sfence.sel $0x180000  }
0x70: {  	s2 =	simm.s32 $0x1;
	[bflag:$0x0] =	sbarrier.arrive $0xFFFF  }
0x71: {  	s31 =	simm.s32 $0x2;
	[sflag:s2] =	ssyncpa.u1 $0x1  }
0x72: {  	[sflag:s31] =	ssyncpa.u1 $0x1  }
0x73: {  	p0 =	sne.s32 s1, $0x0;
	_ =	strace $0x90000047  }
0x74: {  	s0 =	sadd.s32 @!p0 $0x100000, s0;
	[bflag:$0x2] =	sbarrier.arrive $0xFFFF  }
0x75: {  	[sflag:s0] =	ssyncadd.tile.s32 @!p0 $0x1;
	_ =	shalt  }
.Lfunc_end1:
_tile_overlayer_lowered:
.L_overlay_start_2:
0x76: {  	(tag) =	ssettag $0x2  }
0x77: {  	s0 =	rddreg [dreg:$0x0];
	s2 =	stileid.u32  }
0x78: {  	s1 =	rddreg [dreg:$0x1];
	p0 =	sne.s32 s2, $0x0  }
0x79: {  	s3 =	rddreg [dreg:$0x2];
	[bflag:$0x3] =	sbarrier.arrive $0xFFFF;
	s2 =	simm.s32 @!p0 $0x1C01  }
0x7a: {  	[timem:s3], [sflag:s2] =	dma.local @!p0 [hbm:s0], s1  }
0x7b: {  	s0 =	simm.s32 @!p0 $0x1  }
0x7c: {  	_ =	swait.ge @!p0 [sflag:s0], s1  }
0x7d: {  	s1 =	ssub.s32 @!p0 $0x0, s1;
	[sflag:s0] =	ssyncset.done @!p0 $0x0  }
0x7e: {  	[sflag:s0] =	ssyncadd.s32 @!p0 s1  }
0x7f: {  	[bflag:$0x3] =	sbarrier.arrive $0xFFFF  }
0x80: {  	_ =	shalt  }

</sc_bundles>
